<compile_context>
chip_gen: v7x
topology: tpu7x:2x2x1
jax: 0.10.2.dev20260603
libtpu: 0.0.44.dev20260713+nightly
codegen_flags: <defaults>
</compile_context>

<pallas_src>
import functools

import jax
import jax.numpy as jnp
from jax import lax
from jax.experimental import pallas as pl
from jax.experimental.pallas import tpu as pltpu
from jax.experimental.pallas import tpu_sc as plsc

NC = 2
NS = 16
NW = NC * NS
CHUNK = 128
BN_EPS = 1e-5



def _einsum_body(x_ref, w_ref, o_ref):
    o_ref[0] = jnp.dot(x_ref[...], w_ref[0], preferred_element_type=jnp.float32)


def _tc_einsum(feat, w):
    n, f = feat.shape
    k, _, fo = w.shape
    bn = 2000
    return pl.pallas_call(
        _einsum_body,
        grid=(n // bn, k),
        in_specs=[
            pl.BlockSpec((bn, f), lambda i, j: (i, 0)),
            pl.BlockSpec((1, f, fo), lambda i, j: (j, 0, 0)),
        ],
        out_specs=pl.BlockSpec((1, bn, fo), lambda i, j: (j, i, 0)),
        out_shape=jax.ShapeDtypeStruct((k, n, fo), jnp.float32),
    )(feat, w)


def _bn_silu_body(n, p_ref, g_ref, b_ref, o_ref):
    h = p_ref[0, :n] + p_ref[1, :n]
    mu = jnp.mean(h, axis=0, keepdims=True)
    var = jnp.mean((h - mu) ** 2, axis=0, keepdims=True)
    hn = (h - mu) * lax.rsqrt(var + BN_EPS) * g_ref[0] + b_ref[0]
    o_ref[...] = hn * jax.nn.sigmoid(hn)


def _tc_bn_silu(partials, gamma, beta, n):
    f = partials.shape[2]
    return pl.pallas_call(
        functools.partial(_bn_silu_body, n),
        out_shape=jax.ShapeDtypeStruct((n, f), jnp.float32),
    )(partials, gamma.reshape(1, f), beta.reshape(1, f))


def _final_body(z_ref, wp_ref, bp_ref, gp_ref, bt_ref, p_ref, o_ref):
    zp = jnp.dot(z_ref[...], wp_ref[...], preferred_element_type=jnp.float32)
    zp = zp + bp_ref[0]
    mu = jnp.mean(zp, axis=0, keepdims=True)
    var = jnp.mean((zp - mu) ** 2, axis=0, keepdims=True)
    zp = (zp - mu) * lax.rsqrt(var + BN_EPS) * gp_ref[0] + bt_ref[0]
    zp = jnp.maximum(zp, 0.0)
    n = z_ref.shape[0]
    o_ref[...] = (p_ref[0, :n] + p_ref[1, :n]) + zp


def _tc_final(z, wp, bp, gp, bt, partials):
    n, f = z.shape
    fo = wp.shape[1]
    return pl.pallas_call(
        _final_body,
        out_shape=jax.ShapeDtypeStruct((n, fo), jnp.float32),
    )(z, wp, bp.reshape(1, fo), gp.reshape(1, fo), bt.reshape(1, fo), partials)



def _sc_edge_pass(table, src_slab, ko_slab, dst_slab, zeros, n_nodes, n_acc,
                  nchunk):
    f = table.shape[1]
    mesh = plsc.VectorSubcoreMesh(
        core_axis_name="c", subcore_axis_name="s", num_cores=NC)
    zrows = n_acc // NS

    @functools.partial(
        pl.kernel,
        out_type=jax.ShapeDtypeStruct((NC, n_acc, f), jnp.float32),
        mesh=mesh,
        scratch_types=[
            pltpu.VMEM((nchunk, CHUNK), jnp.int32),
            pltpu.VMEM((nchunk, CHUNK), jnp.int32),
            pltpu.VMEM((nchunk, CHUNK), jnp.int32),
            pltpu.VMEM((CHUNK, f), jnp.float32),
            pltpu.VMEM_SHARED((n_acc, f), jnp.float32),
            pltpu.SemaphoreType.DMA,
        ],
    )
    def body(table_hbm, src_hbm, ko_hbm, dst_hbm, zeros_hbm, out_hbm,
             src_v, ko_v, dst_v, rows_v, acc_sh, sem):
        c = lax.axis_index("c")
        s = lax.axis_index("s")
        wid = c * NS + s

        pltpu.sync_copy(zeros_hbm, acc_sh.at[pl.ds(s * zrows, zrows)])
        pltpu.sync_copy(src_hbm.at[wid], src_v)
        pltpu.sync_copy(ko_hbm.at[wid], ko_v)
        pltpu.sync_copy(dst_hbm.at[wid], dst_v)

        def to_comb(i, carry):
            j = i // 8
            t = (i % 8) * 16
            ko = ko_v[j, pl.ds(t, 16)]
            sv = src_v[j, pl.ds(t, 16)]
            src_v[j, pl.ds(t, 16)] = ko * n_nodes + sv
            return carry
        lax.fori_loop(0, nchunk * 8, to_comb, 0)

        plsc.subcore_barrier()

        def chunk_body(j, carry):
            pltpu.async_copy(table_hbm.at[src_v.at[j]], rows_v, sem).wait()
            pltpu.sync_copy(rows_v, acc_sh.at[dst_v.at[j]], add=True)
            return carry
        lax.fori_loop(0, nchunk, chunk_body, 0)

        plsc.subcore_barrier()

        pltpu.sync_copy(acc_sh.at[pl.ds(s * zrows, zrows)],
                        out_hbm.at[c, pl.ds(s * zrows, zrows)])

    return body(table, src_slab, ko_slab, dst_slab, zeros)



def kernel(x, z, edge_index, kernel_offset, W1, gamma1, beta1, W2, Wp, bp,
           gamma_p, beta_p):
    n, f = x.shape
    e = edge_index.shape[1]
    k = W1.shape[0]

    per_w = -(-e // (NW * CHUNK)) * CHUNK
    nchunk = per_w // CHUNK
    e_pad = per_w * NW
    n_acc = -(-(n + 1) // (NS * 8)) * NS * 8

    pad = e_pad - e
    src = jnp.concatenate([edge_index[0], jnp.zeros((pad,), jnp.int32)])
    ko = jnp.concatenate([kernel_offset, jnp.zeros((pad,), jnp.int32)])
    dst = jnp.concatenate([edge_index[1], jnp.full((pad,), n, jnp.int32)])
    src_slab = src.reshape(NW, nchunk, CHUNK)
    ko_slab = ko.reshape(NW, nchunk, CHUNK)
    dst_slab = dst.reshape(NW, nchunk, CHUNK)
    zeros = jnp.zeros((n_acc // NS, f), jnp.float32)

    y1 = _tc_einsum(x, W1).reshape(k * n, f)
    p1 = _sc_edge_pass(y1, src_slab, ko_slab, dst_slab, zeros, n, n_acc,
                       nchunk)
    h = _tc_bn_silu(p1, gamma1, beta1, n)

    y2 = _tc_einsum(h, W2).reshape(k * n, f)
    p2 = _sc_edge_pass(y2, src_slab, ko_slab, dst_slab, zeros, n, n_acc,
                       nchunk)

    out = _tc_final(z, Wp, bp, gamma_p, beta_p, p2)
    return (out, out)

# --- scband reference (transcript-rebuilt; emitter-appended) ---
"""Pipeline reference for scband-stem-stage-3058016715337 (READ-ONLY COPY).

The authoritative reference and input builder live on the scoring server;
editing this copy changes nothing except your own understanding.
"""

import jax, jax.numpy as jnp
import numpy as np

N = 10000
E = 320000
FIN = 128
FOUT = 128
KVOL = 27  # 3x3x3 kernel offsets


def setup_inputs(seed: int = 0) -> dict:
    key = jax.random.key(seed)
    ks = jax.random.split(key, 12)
    x = jax.random.normal(ks[0], (N, FIN), dtype=jnp.float32)
    z = jax.random.normal(ks[1], (N, FIN), dtype=jnp.float32)
    edge_index = jax.random.randint(ks[2], (2, E), 0, N, dtype=jnp.int32)
    kernel_offset = jax.random.randint(ks[3], (E,), 0, KVOL, dtype=jnp.int32)
    s1 = 1.0 / np.sqrt(FIN * KVOL)
    s2 = 1.0 / np.sqrt(FOUT * KVOL)
    W1 = jax.random.normal(ks[4], (KVOL, FIN, FOUT), dtype=jnp.float32) * s1
    gamma1 = jnp.ones((FOUT,), dtype=jnp.float32)
    beta1 = jnp.zeros((FOUT,), dtype=jnp.float32)
    W2 = jax.random.normal(ks[5], (KVOL, FOUT, FOUT), dtype=jnp.float32) * s2
    Wp = jax.random.normal(ks[6], (FIN, FOUT), dtype=jnp.float32) * (1.0 / np.sqrt(FIN))
    bp = jnp.zeros((FOUT,), dtype=jnp.float32)
    gamma_p = jnp.ones((FOUT,), dtype=jnp.float32)
    beta_p = jnp.zeros((FOUT,), dtype=jnp.float32)
    return {
        "x": x, "z": z,
        "edge_index": edge_index, "kernel_offset": kernel_offset,
        "W1": W1, "gamma1": gamma1, "beta1": beta1,
        "W2": W2,
        "Wp": Wp, "bp": bp, "gamma_p": gamma_p, "beta_p": beta_p,
    }


def _batch_norm(h, gamma, beta, eps=1e-5):
    mu = jnp.mean(h, axis=0)
    var = jnp.var(h, axis=0)
    return (h - mu) / jnp.sqrt(var + eps) * gamma + beta


def _sparse_conv3d(feat, W, edge_index, kernel_offset, n_nodes):
    # torchsparse-style gather -> per-kernel-offset matmul -> scatter-add.
    # Transform first (compute-efficient), then gather per-edge messages,
    # then scatter-add into destination voxels.
    y = jnp.einsum('nf,kfo->kno', feat, W)          # [K, N, Fout]
    msgs = y[kernel_offset, edge_index[0]]          # gather: [E, Fout]
    out = jax.ops.segment_sum(msgs, edge_index[1], num_segments=n_nodes)
    return out


def reference(x, z, edge_index, kernel_offset, W1, gamma1, beta1, W2, Wp, bp, gamma_p, beta_p):
    n = x.shape[0]
    # voxel_conv: Conv3d -> BatchNorm -> SiLU -> Conv3d
    h = _sparse_conv3d(x, W1, edge_index, kernel_offset, n)
    h = _batch_norm(h, gamma1, beta1)
    h = h * jax.nn.sigmoid(h)  # SiLU
    h = _sparse_conv3d(h, W2, edge_index, kernel_offset, n)
    # point_conv: SharedMLP = Linear -> BatchNorm -> ReLU
    zp = z @ Wp + bp
    zp = _batch_norm(zp, gamma_p, beta_p)
    zp = jax.nn.relu(zp)
    # mixed_mix: mutual additive fusion of voxel and point branches
    x_out = h + zp
    z_out = zp + h
    return (x_out, z_out)

if __name__ == "__main__":
    import jax
    _d = setup_inputs()
    print(jax.jit(kernel)(*tuple(_d.values())))

</pallas_src>

<mosaic_0001>
#map = affine_map<(d0, d1) -> (0, 0)>
#map1 = affine_map<(d0, d1) -> (0, 0, 0)>
module attributes {stable_mosaic.version = 14 : i64} {
  func.func @body(%arg0: i32, %arg1: i32, %arg2: memref<270000x128xf32, #tpu.memory_space<hbm>>, %arg3: memref<32x79x128xi32, #tpu.memory_space<hbm>>, %arg4: memref<32x79x128xi32, #tpu.memory_space<hbm>>, %arg5: memref<32x79x128xi32, #tpu.memory_space<hbm>>, %arg6: memref<632x128xf32, #tpu.memory_space<hbm>>, %arg7: memref<2x10112x128xf32, #tpu.memory_space<hbm>>, %arg8: memref<79x128xi32, #tpu.memory_space<vmem>>, %arg9: memref<79x128xi32, #tpu.memory_space<vmem>>, %arg10: memref<79x128xi32, #tpu.memory_space<vmem>>, %arg11: memref<128x128xf32, #tpu.memory_space<vmem>>, %arg12: memref<10112x128xf32, #tpu.memory_space<vmem_shared>>, %arg13: memref<!tpu.dma_semaphore, #tpu.memory_space<semaphore_mem>>) attributes {dimension_semantics = [#tpu.dimension_semantics<core_parallel>, #tpu.dimension_semantics<subcore_parallel>], iteration_bounds = array<i64: 2, 16>, scalar_prefetch = 0 : i64, scratch_operands = 6 : i64, tpu.core_type = #tpu.core_type<sc_vector_subcore>, window_params = [{transform_indices = #map}, {transform_indices = #map1}, {transform_indices = #map1}, {transform_indices = #map1}, {transform_indices = #map}, {transform_indices = #map1}]} {
    %mul3A = arith.constant 16 : i32
    %mul3A_0 = arith.muli %arg0, %mul3A : i32
    %add3A = arith.addi %mul3A_0, %arg1 : i32
    %mul3A_1 = arith.constant 632 : i32
    %mul3A_2 = arith.muli %arg1, %mul3A_1 : i32
    "tpu.region"() ({
      %run_scoped3A = tpu.sem_alloc : memref<!tpu.dma_semaphore, #tpu.memory_space<semaphore_mem>>
      %dma_start3A = arith.constant 0 : i32
      %dma_start3A_19 = tpu.memref_slice %arg12[%mul3A_2, %dma_start3A] : memref<10112x128xf32, #tpu.memory_space<vmem_shared>> -> memref<632x128xf32, #tpu.memory_space<vmem_shared>>
      tpu.enqueue_dma source(%arg6 : memref<632x128xf32, #tpu.memory_space<hbm>>) target(%dma_start3A_19 : memref<632x128xf32, #tpu.memory_space<vmem_shared>>) target_semaphore(%run_scoped3A : memref<!tpu.dma_semaphore, #tpu.memory_space<semaphore_mem>>)
      %dma_wait3A = arith.constant 0 : i32
      %dma_wait3A_20 = tpu.memref_slice %arg12[%mul3A_2, %dma_wait3A] : memref<10112x128xf32, #tpu.memory_space<vmem_shared>> -> memref<632x128xf32, #tpu.memory_space<vmem_shared>>
      tpu.wait_dma2 semaphore(%run_scoped3A : memref<!tpu.dma_semaphore, #tpu.memory_space<semaphore_mem>>) src(%arg6 : memref<632x128xf32, #tpu.memory_space<hbm>>) dst(%dma_wait3A_20 : memref<632x128xf32, #tpu.memory_space<vmem_shared>>)
      tpu.yield
    }) : () -> ()
    "tpu.region"() ({
      %run_scoped3A = tpu.sem_alloc : memref<!tpu.dma_semaphore, #tpu.memory_space<semaphore_mem>>
      %dma_start3A = arith.constant 0 : i32
      %dma_start3A_19 = arith.constant 0 : i32
      %dma_start3A_20 = tpu.memref_slice %arg3[%add3A, %dma_start3A, %dma_start3A_19] : memref<32x79x128xi32, #tpu.memory_space<hbm>> -> memref<1x79x128xi32, #tpu.memory_space<hbm>>
      %dma_start3A_21 = tpu.memref_squeeze %dma_start3A_20 : memref<1x79x128xi32, #tpu.memory_space<hbm>> -> memref<79x128xi32, #tpu.memory_space<hbm>>
      %dma_start3A_22 = arith.constant 0 : i32
      %dma_start3A_23 = arith.constant 0 : i32
      %dma_start3A_24 = tpu.memref_slice %arg3[%add3A, %dma_start3A_22, %dma_start3A_23] : memref<32x79x128xi32, #tpu.memory_space<hbm>> -> memref<1x79x128xi32, #tpu.memory_space<hbm>>
      %dma_start3A_25 = tpu.memref_squeeze %dma_start3A_24 : memref<1x79x128xi32, #tpu.memory_space<hbm>> -> memref<79x128xi32, #tpu.memory_space<hbm>>
      tpu.enqueue_dma source(%dma_start3A_25 : memref<79x128xi32, #tpu.memory_space<hbm>>) target(%arg8 : memref<79x128xi32, #tpu.memory_space<vmem>>) target_semaphore(%run_scoped3A : memref<!tpu.dma_semaphore, #tpu.memory_space<semaphore_mem>>)
      %dma_wait3A = arith.constant 0 : i32
      %dma_wait3A_26 = arith.constant 0 : i32
      %dma_wait3A_27 = tpu.memref_slice %arg3[%add3A, %dma_wait3A, %dma_wait3A_26] : memref<32x79x128xi32, #tpu.memory_space<hbm>> -> memref<1x79x128xi32, #tpu.memory_space<hbm>>
      %dma_wait3A_28 = tpu.memref_squeeze %dma_wait3A_27 : memref<1x79x128xi32, #tpu.memory_space<hbm>> -> memref<79x128xi32, #tpu.memory_space<hbm>>
      %dma_wait3A_29 = arith.constant 0 : i32
      %dma_wait3A_30 = arith.constant 0 : i32
      %dma_wait3A_31 = tpu.memref_slice %arg3[%add3A, %dma_wait3A_29, %dma_wait3A_30] : memref<32x79x128xi32, #tpu.memory_space<hbm>> -> memref<1x79x128xi32, #tpu.memory_space<hbm>>
      %dma_wait3A_32 = tpu.memref_squeeze %dma_wait3A_31 : memref<1x79x128xi32, #tpu.memory_space<hbm>> -> memref<79x128xi32, #tpu.memory_space<hbm>>
      tpu.wait_dma2 semaphore(%run_scoped3A : memref<!tpu.dma_semaphore, #tpu.memory_space<semaphore_mem>>) src(%dma_wait3A_32 : memref<79x128xi32, #tpu.memory_space<hbm>>) dst(%arg8 : memref<79x128xi32, #tpu.memory_space<vmem>>)
      tpu.yield
    }) : () -> ()
    "tpu.region"() ({
      %run_scoped3A = tpu.sem_alloc : memref<!tpu.dma_semaphore, #tpu.memory_space<semaphore_mem>>
      %dma_start3A = arith.constant 0 : i32
      %dma_start3A_19 = arith.constant 0 : i32
      %dma_start3A_20 = tpu.memref_slice %arg4[%add3A, %dma_start3A, %dma_start3A_19] : memref<32x79x128xi32, #tpu.memory_space<hbm>> -> memref<1x79x128xi32, #tpu.memory_space<hbm>>
      %dma_start3A_21 = tpu.memref_squeeze %dma_start3A_20 : memref<1x79x128xi32, #tpu.memory_space<hbm>> -> memref<79x128xi32, #tpu.memory_space<hbm>>
      %dma_start3A_22 = arith.constant 0 : i32
      %dma_start3A_23 = arith.constant 0 : i32
      %dma_start3A_24 = tpu.memref_slice %arg4[%add3A, %dma_start3A_22, %dma_start3A_23] : memref<32x79x128xi32, #tpu.memory_space<hbm>> -> memref<1x79x128xi32, #tpu.memory_space<hbm>>
      %dma_start3A_25 = tpu.memref_squeeze %dma_start3A_24 : memref<1x79x128xi32, #tpu.memory_space<hbm>> -> memref<79x128xi32, #tpu.memory_space<hbm>>
      tpu.enqueue_dma source(%dma_start3A_25 : memref<79x128xi32, #tpu.memory_space<hbm>>) target(%arg9 : memref<79x128xi32, #tpu.memory_space<vmem>>) target_semaphore(%run_scoped3A : memref<!tpu.dma_semaphore, #tpu.memory_space<semaphore_mem>>)
      %dma_wait3A = arith.constant 0 : i32
      %dma_wait3A_26 = arith.constant 0 : i32
      %dma_wait3A_27 = tpu.memref_slice %arg4[%add3A, %dma_wait3A, %dma_wait3A_26] : memref<32x79x128xi32, #tpu.memory_space<hbm>> -> memref<1x79x128xi32, #tpu.memory_space<hbm>>
      %dma_wait3A_28 = tpu.memref_squeeze %dma_wait3A_27 : memref<1x79x128xi32, #tpu.memory_space<hbm>> -> memref<79x128xi32, #tpu.memory_space<hbm>>
      %dma_wait3A_29 = arith.constant 0 : i32
      %dma_wait3A_30 = arith.constant 0 : i32
      %dma_wait3A_31 = tpu.memref_slice %arg4[%add3A, %dma_wait3A_29, %dma_wait3A_30] : memref<32x79x128xi32, #tpu.memory_space<hbm>> -> memref<1x79x128xi32, #tpu.memory_space<hbm>>
      %dma_wait3A_32 = tpu.memref_squeeze %dma_wait3A_31 : memref<1x79x128xi32, #tpu.memory_space<hbm>> -> memref<79x128xi32, #tpu.memory_space<hbm>>
      tpu.wait_dma2 semaphore(%run_scoped3A : memref<!tpu.dma_semaphore, #tpu.memory_space<semaphore_mem>>) src(%dma_wait3A_32 : memref<79x128xi32, #tpu.memory_space<hbm>>) dst(%arg9 : memref<79x128xi32, #tpu.memory_space<vmem>>)
      tpu.yield
    }) : () -> ()
    "tpu.region"() ({
      %run_scoped3A = tpu.sem_alloc : memref<!tpu.dma_semaphore, #tpu.memory_space<semaphore_mem>>
      %dma_start3A = arith.constant 0 : i32
      %dma_start3A_19 = arith.constant 0 : i32
      %dma_start3A_20 = tpu.memref_slice %arg5[%add3A, %dma_start3A, %dma_start3A_19] : memref<32x79x128xi32, #tpu.memory_space<hbm>> -> memref<1x79x128xi32, #tpu.memory_space<hbm>>
      %dma_start3A_21 = tpu.memref_squeeze %dma_start3A_20 : memref<1x79x128xi32, #tpu.memory_space<hbm>> -> memref<79x128xi32, #tpu.memory_space<hbm>>
      %dma_start3A_22 = arith.constant 0 : i32
      %dma_start3A_23 = arith.constant 0 : i32
      %dma_start3A_24 = tpu.memref_slice %arg5[%add3A, %dma_start3A_22, %dma_start3A_23] : memref<32x79x128xi32, #tpu.memory_space<hbm>> -> memref<1x79x128xi32, #tpu.memory_space<hbm>>
      %dma_start3A_25 = tpu.memref_squeeze %dma_start3A_24 : memref<1x79x128xi32, #tpu.memory_space<hbm>> -> memref<79x128xi32, #tpu.memory_space<hbm>>
      tpu.enqueue_dma source(%dma_start3A_25 : memref<79x128xi32, #tpu.memory_space<hbm>>) target(%arg10 : memref<79x128xi32, #tpu.memory_space<vmem>>) target_semaphore(%run_scoped3A : memref<!tpu.dma_semaphore, #tpu.memory_space<semaphore_mem>>)
      %dma_wait3A = arith.constant 0 : i32
      %dma_wait3A_26 = arith.constant 0 : i32
      %dma_wait3A_27 = tpu.memref_slice %arg5[%add3A, %dma_wait3A, %dma_wait3A_26] : memref<32x79x128xi32, #tpu.memory_space<hbm>> -> memref<1x79x128xi32, #tpu.memory_space<hbm>>
      %dma_wait3A_28 = tpu.memref_squeeze %dma_wait3A_27 : memref<1x79x128xi32, #tpu.memory_space<hbm>> -> memref<79x128xi32, #tpu.memory_space<hbm>>
      %dma_wait3A_29 = arith.constant 0 : i32
      %dma_wait3A_30 = arith.constant 0 : i32
      %dma_wait3A_31 = tpu.memref_slice %arg5[%add3A, %dma_wait3A_29, %dma_wait3A_30] : memref<32x79x128xi32, #tpu.memory_space<hbm>> -> memref<1x79x128xi32, #tpu.memory_space<hbm>>
      %dma_wait3A_32 = tpu.memref_squeeze %dma_wait3A_31 : memref<1x79x128xi32, #tpu.memory_space<hbm>> -> memref<79x128xi32, #tpu.memory_space<hbm>>
      tpu.wait_dma2 semaphore(%run_scoped3A : memref<!tpu.dma_semaphore, #tpu.memory_space<semaphore_mem>>) src(%dma_wait3A_32 : memref<79x128xi32, #tpu.memory_space<hbm>>) dst(%arg10 : memref<79x128xi32, #tpu.memory_space<vmem>>)
      tpu.yield
    }) : () -> ()
    %scan3A = arith.constant 0 : i32
    %scan3A_3 = arith.constant 0 : i32
    %scan3A_4 = arith.constant 632 : i32
    %scan3A_5 = arith.addi %scan3A_3, %scan3A_4 : i32
    %scan3A_6 = arith.constant 1 : i32
    scf.for %scan3A_19 = %scan3A_3 to %scan3A_5 step %scan3A_6  : i32 {
      %jit3A = arith.constant 8 : i32
      %div3A = arith.divsi %scan3A_19, %jit3A : i32
      %sign3A = arith.constant 0 : i32
      %sign3A_20 = arith.cmpi sgt, %scan3A_19, %sign3A : i32
      %sign3A_21 = arith.extui %sign3A_20 : i1 to i32
      %sign3A_22 = arith.constant 0 : i32
      %sign3A_23 = arith.cmpi slt, %scan3A_19, %sign3A_22 : i32
      %sign3A_24 = arith.extui %sign3A_23 : i1 to i32
      %sign3A_25 = arith.subi %sign3A_21, %sign3A_24 : i32
      %sign3A_26 = arith.constant 0 : i32
      %sign3A_27 = arith.cmpi sgt, %jit3A, %sign3A_26 : i32
      %sign3A_28 = arith.extui %sign3A_27 : i1 to i32
      %sign3A_29 = arith.constant 0 : i32
      %sign3A_30 = arith.cmpi slt, %jit3A, %sign3A_29 : i32
      %sign3A_31 = arith.extui %sign3A_30 : i1 to i32
      %sign3A_32 = arith.subi %sign3A_28, %sign3A_31 : i32
      %ne3A = arith.cmpi ne, %sign3A_25, %sign3A_32 : i32
      %rem3A = arith.remsi %scan3A_19, %jit3A : i32
      %ne3A_33 = arith.constant 0 : i32
      %ne3A_34 = arith.cmpi ne, %rem3A, %ne3A_33 : i32
      %and3A = arith.andi %ne3A, %ne3A_34 : i1
      %sub3A = arith.constant 1 : i32
      %sub3A_35 = arith.subi %div3A, %sub3A : i32
      %select_n3A = arith.select %and3A, %sub3A_35, %div3A : i32
      %jit3A_36 = arith.constant 8 : i32
      %eq3A = arith.constant 0 : i32
      %eq3A_37 = arith.cmpi eq, %jit3A_36, %eq3A : i32
      %jit3A_38 = arith.constant 1 : i32
      %select_n3A_39 = arith.select %eq3A_37, %jit3A_38, %jit3A_36 : i32
      %rem3A_40 = arith.remsi %scan3A_19, %select_n3A_39 : i32
      %ne3A_41 = arith.constant 0 : i32
      %ne3A_42 = arith.cmpi ne, %rem3A_40, %ne3A_41 : i32
      %lt3A = arith.constant 0 : i32
      %lt3A_43 = arith.cmpi slt, %rem3A_40, %lt3A : i32
      %lt3A_44 = arith.constant 0 : i32
      %lt3A_45 = arith.cmpi slt, %select_n3A_39, %lt3A_44 : i32
      %ne3A_46 = arith.xori %lt3A_43, %lt3A_45 : i1
      %and3A_47 = arith.andi %ne3A_46, %ne3A_42 : i1
      %add3A_48 = arith.addi %rem3A_40, %select_n3A_39 : i32
      %select_n3A_49 = arith.select %and3A_47, %add3A_48, %rem3A_40 : i32
      %mul3A_50 = arith.constant 16 : i32
      %mul3A_51 = arith.muli %select_n3A_49, %mul3A_50 : i32
      %get3A = arith.index_cast %select_n3A : i32 to index
      %get3A_52 = arith.index_cast %mul3A_51 : i32 to index
      %get3A_53 = tpu.vector_load %arg9[%get3A, %get3A_52] {strides = array<i32>} : memref<79x128xi32, #tpu.memory_space<vmem>>, vector<1x16xi32>,
      %get3A_54 = vector.shape_cast %get3A_53 : vector<1x16xi32> to vector<16xi32>
      %get3A_55 = arith.index_cast %select_n3A : i32 to index
      %get3A_56 = arith.index_cast %mul3A_51 : i32 to index
      %get3A_57 = tpu.vector_load %arg8[%get3A_55, %get3A_56] {strides = array<i32>} : memref<79x128xi32, #tpu.memory_space<vmem>>, vector<1x16xi32>,
      %get3A_58 = vector.shape_cast %get3A_57 : vector<1x16xi32> to vector<16xi32>
      %mul3A_59 = arith.constant 10000 : i32
      %mul3A_60 = vector.broadcast %mul3A_59 : i32 to vector<16xi32>
      %mul3A_61 = arith.muli %get3A_54, %mul3A_60 : vector<16xi32>
      %add3A_62 = arith.addi %mul3A_61, %get3A_58 : vector<16xi32>
      %swap3A = arith.index_cast %select_n3A : i32 to index
      %swap3A_63 = arith.index_cast %mul3A_51 : i32 to index
      %swap3A_64 = tpu.vector_load %arg8[%swap3A, %swap3A_63] {strides = array<i32>} : memref<79x128xi32, #tpu.memory_space<vmem>>, vector<1x16xi32>,
      %swap3A_65 = vector.shape_cast %swap3A_64 : vector<1x16xi32> to vector<16xi32>
      %swap3A_66 = vector.shape_cast %add3A_62 : vector<16xi32> to vector<1x16xi32>
      tpu.vector_store %arg8[%swap3A, %swap3A_63], %swap3A_66 {strides = array<i32>} : memref<79x128xi32, #tpu.memory_space<vmem>>, vector<1x16xi32>,
    }
    %scan3A_7 = arith.constant 632 : i32
    %barrier3A = arith.constant 0 : index
    tpu.barrier barrier_id(%barrier3A)
    %scan3A_8 = arith.constant 0 : i32
    %scan3A_9 = arith.constant 0 : i32
    %scan3A_10 = arith.constant 79 : i32
    %scan3A_11 = arith.addi %scan3A_9, %scan3A_10 : i32
    %scan3A_12 = arith.constant 1 : i32
    scf.for %scan3A_19 = %scan3A_9 to %scan3A_11 step %scan3A_12  : i32 {
      %dma_start3A = arith.constant 0 : i32
      %dma_start3A_20 = tpu.memref_slice %arg8[%scan3A_19, %dma_start3A] : memref<79x128xi32, #tpu.memory_space<vmem>> -> memref<1x128xi32, #tpu.memory_space<vmem>>
      %dma_start3A_21 = tpu.memref_squeeze %dma_start3A_20 : memref<1x128xi32, #tpu.memory_space<vmem>> -> memref<128xi32, #tpu.memory_space<vmem>>
      %dma_start3A_22 = arith.constant 0 : i32
      %dma_start3A_23 = arith.constant 0 : i32
      %dma_start3A_24 = tpu.memref_slice %arg2[%dma_start3A_22, %dma_start3A_23] : memref<270000x128xf32, #tpu.memory_space<hbm>> -> memref<270000x128xf32, #tpu.memory_space<hbm>>
      tpu.enqueue_indirect_dma source(%dma_start3A_24 : memref<270000x128xf32, #tpu.memory_space<hbm>>) target(%arg11 : memref<128x128xf32, #tpu.memory_space<vmem>>) offsets(%dma_start3A_21 : memref<128xi32, #tpu.memory_space<vmem>>) semaphore(%arg13 : memref<!tpu.dma_semaphore, #tpu.memory_space<semaphore_mem>>)
      %dma_wait3A = arith.constant 0 : i32
      %dma_wait3A_25 = tpu.memref_slice %arg8[%scan3A_19, %dma_wait3A] : memref<79x128xi32, #tpu.memory_space<vmem>> -> memref<1x128xi32, #tpu.memory_space<vmem>>
      %dma_wait3A_26 = tpu.memref_squeeze %dma_wait3A_25 : memref<1x128xi32, #tpu.memory_space<vmem>> -> memref<128xi32, #tpu.memory_space<vmem>>
      %dma_wait3A_27 = arith.constant 0 : i32
      %dma_wait3A_28 = arith.constant 0 : i32
      %dma_wait3A_29 = tpu.memref_slice %arg2[%dma_wait3A_27, %dma_wait3A_28] : memref<270000x128xf32, #tpu.memory_space<hbm>> -> memref<270000x128xf32, #tpu.memory_space<hbm>>
      tpu.wait_indirect_dma semaphore(%arg13 : memref<!tpu.dma_semaphore, #tpu.memory_space<semaphore_mem>>) src(%dma_wait3A_29 : memref<270000x128xf32, #tpu.memory_space<hbm>>) dst(%arg11 : memref<128x128xf32, #tpu.memory_space<vmem>>)
      "tpu.region"() ({
        %run_scoped3A = tpu.sem_alloc : memref<!tpu.dma_semaphore, #tpu.memory_space<semaphore_mem>>
        %dma_start3A_30 = arith.constant 0 : i32
        %dma_start3A_31 = tpu.memref_slice %arg10[%scan3A_19, %dma_start3A_30] : memref<79x128xi32, #tpu.memory_space<vmem>> -> memref<1x128xi32, #tpu.memory_space<vmem>>
        %dma_start3A_32 = tpu.memref_squeeze %dma_start3A_31 : memref<1x128xi32, #tpu.memory_space<vmem>> -> memref<128xi32, #tpu.memory_space<vmem>>
        %dma_start3A_33 = arith.constant 0 : i32
        %dma_start3A_34 = arith.constant 0 : i32
        %dma_start3A_35 = tpu.memref_slice %arg12[%dma_start3A_33, %dma_start3A_34] : memref<10112x128xf32, #tpu.memory_space<vmem_shared>> -> memref<10112x128xf32, #tpu.memory_space<vmem_shared>>
        tpu.enqueue_indirect_dma source(%arg11 : memref<128x128xf32, #tpu.memory_space<vmem>>) target(%dma_start3A_35 : memref<10112x128xf32, #tpu.memory_space<vmem_shared>>) offsets(%dma_start3A_32 : memref<128xi32, #tpu.memory_space<vmem>>) semaphore(%run_scoped3A : memref<!tpu.dma_semaphore, #tpu.memory_space<semaphore_mem>>) {add = true}
        %dma_wait3A_36 = arith.constant 0 : i32
        %dma_wait3A_37 = tpu.memref_slice %arg10[%scan3A_19, %dma_wait3A_36] : memref<79x128xi32, #tpu.memory_space<vmem>> -> memref<1x128xi32, #tpu.memory_space<vmem>>
        %dma_wait3A_38 = tpu.memref_squeeze %dma_wait3A_37 : memref<1x128xi32, #tpu.memory_space<vmem>> -> memref<128xi32, #tpu.memory_space<vmem>>
        %dma_wait3A_39 = arith.constant 0 : i32
        %dma_wait3A_40 = arith.constant 0 : i32
        %dma_wait3A_41 = tpu.memref_slice %arg12[%dma_wait3A_39, %dma_wait3A_40] : memref<10112x128xf32, #tpu.memory_space<vmem_shared>> -> memref<10112x128xf32, #tpu.memory_space<vmem_shared>>
        tpu.wait_indirect_dma semaphore(%run_scoped3A : memref<!tpu.dma_semaphore, #tpu.memory_space<semaphore_mem>>) src(%arg11 : memref<128x128xf32, #tpu.memory_space<vmem>>) dst(%dma_wait3A_41 : memref<10112x128xf32, #tpu.memory_space<vmem_shared>>)
        tpu.yield
      }) : () -> ()
    }
    %scan3A_13 = arith.constant 79 : i32
    %barrier3A_14 = arith.constant 0 : index
    tpu.barrier barrier_id(%barrier3A_14)
    %mul3A_15 = arith.constant 632 : i32
    %mul3A_16 = arith.muli %arg1, %mul3A_15 : i32
    %mul3A_17 = arith.constant 632 : i32
    %mul3A_18 = arith.muli %arg1, %mul3A_17 : i32
    "tpu.region"() ({
      %run_scoped3A = tpu.sem_alloc : memref<!tpu.dma_semaphore, #tpu.memory_space<semaphore_mem>>
      %dma_start3A = arith.constant 0 : i32
      %dma_start3A_19 = tpu.memref_slice %arg7[%arg0, %mul3A_18, %dma_start3A] : memref<2x10112x128xf32, #tpu.memory_space<hbm>> -> memref<1x632x128xf32, #tpu.memory_space<hbm>>
      %dma_start3A_20 = tpu.memref_squeeze %dma_start3A_19 : memref<1x632x128xf32, #tpu.memory_space<hbm>> -> memref<632x128xf32, #tpu.memory_space<hbm>>
      %dma_start3A_21 = arith.constant 0 : i32
      %dma_start3A_22 = tpu.memref_slice %arg12[%mul3A_16, %dma_start3A_21] : memref<10112x128xf32, #tpu.memory_space<vmem_shared>> -> memref<632x128xf32, #tpu.memory_space<vmem_shared>>
      tpu.enqueue_dma source(%dma_start3A_22 : memref<632x128xf32, #tpu.memory_space<vmem_shared>>) target(%dma_start3A_20 : memref<632x128xf32, #tpu.memory_space<hbm>>) target_semaphore(%run_scoped3A : memref<!tpu.dma_semaphore, #tpu.memory_space<semaphore_mem>>)
      %dma_wait3A = arith.constant 0 : i32
      %dma_wait3A_23 = tpu.memref_slice %arg7[%arg0, %mul3A_18, %dma_wait3A] : memref<2x10112x128xf32, #tpu.memory_space<hbm>> -> memref<1x632x128xf32, #tpu.memory_space<hbm>>
      %dma_wait3A_24 = tpu.memref_squeeze %dma_wait3A_23 : memref<1x632x128xf32, #tpu.memory_space<hbm>> -> memref<632x128xf32, #tpu.memory_space<hbm>>
      %dma_wait3A_25 = arith.constant 0 : i32
      %dma_wait3A_26 = tpu.memref_slice %arg12[%mul3A_16, %dma_wait3A_25] : memref<10112x128xf32, #tpu.memory_space<vmem_shared>> -> memref<632x128xf32, #tpu.memory_space<vmem_shared>>
      tpu.wait_dma2 semaphore(%run_scoped3A : memref<!tpu.dma_semaphore, #tpu.memory_space<semaphore_mem>>) src(%dma_wait3A_26 : memref<632x128xf32, #tpu.memory_space<vmem_shared>>) dst(%dma_wait3A_24 : memref<632x128xf32, #tpu.memory_space<hbm>>)
      tpu.yield
    }) : () -> ()
    return
  }
}

#map = affine_map<(d0, d1) -> (0, 0)>
#map1 = affine_map<(d0, d1) -> (0, 0, 0)>
module attributes {stable_mosaic.version = 14 : i64} {
  func.func @body(%arg0: i32, %arg1: i32, %arg2: memref<270000x128xf32, #tpu.memory_space<hbm>>, %arg3: memref<32x79x128xi32, #tpu.memory_space<hbm>>, %arg4: memref<32x79x128xi32, #tpu.memory_space<hbm>>, %arg5: memref<32x79x128xi32, #tpu.memory_space<hbm>>, %arg6: memref<632x128xf32, #tpu.memory_space<hbm>>, %arg7: memref<2x10112x128xf32, #tpu.memory_space<hbm>>, %arg8: memref<79x128xi32, #tpu.memory_space<vmem>>, %arg9: memref<79x128xi32, #tpu.memory_space<vmem>>, %arg10: memref<79x128xi32, #tpu.memory_space<vmem>>, %arg11: memref<128x128xf32, #tpu.memory_space<vmem>>, %arg12: memref<10112x128xf32, #tpu.memory_space<vmem_shared>>, %arg13: memref<!tpu.dma_semaphore, #tpu.memory_space<semaphore_mem>>) attributes {dimension_semantics = [#tpu.dimension_semantics<core_parallel>, #tpu.dimension_semantics<subcore_parallel>], iteration_bounds = array<i64: 2, 16>, scalar_prefetch = 0 : i64, scratch_operands = 6 : i64, tpu.core_type = #tpu.core_type<sc_vector_subcore>, window_params = [{transform_indices = #map}, {transform_indices = #map1}, {transform_indices = #map1}, {transform_indices = #map1}, {transform_indices = #map}, {transform_indices = #map1}]} {
    %mul3A = arith.constant 16 : i32
    %mul3A_0 = arith.muli %arg0, %mul3A : i32
    %add3A = arith.addi %mul3A_0, %arg1 : i32
    %mul3A_1 = arith.constant 632 : i32
    %mul3A_2 = arith.muli %arg1, %mul3A_1 : i32
    "tpu.region"() ({
      %run_scoped3A = tpu.sem_alloc : memref<!tpu.dma_semaphore, #tpu.memory_space<semaphore_mem>>
      %dma_start3A = arith.constant 0 : i32
      %dma_start3A_19 = tpu.memref_slice %arg12[%mul3A_2, %dma_start3A] : memref<10112x128xf32, #tpu.memory_space<vmem_shared>> -> memref<632x128xf32, #tpu.memory_space<vmem_shared>>
      tpu.enqueue_dma source(%arg6 : memref<632x128xf32, #tpu.memory_space<hbm>>) target(%dma_start3A_19 : memref<632x128xf32, #tpu.memory_space<vmem_shared>>) target_semaphore(%run_scoped3A : memref<!tpu.dma_semaphore, #tpu.memory_space<semaphore_mem>>)
      %dma_wait3A = arith.constant 0 : i32
      %dma_wait3A_20 = tpu.memref_slice %arg12[%mul3A_2, %dma_wait3A] : memref<10112x128xf32, #tpu.memory_space<vmem_shared>> -> memref<632x128xf32, #tpu.memory_space<vmem_shared>>
      tpu.wait_dma2 semaphore(%run_scoped3A : memref<!tpu.dma_semaphore, #tpu.memory_space<semaphore_mem>>) src(%arg6 : memref<632x128xf32, #tpu.memory_space<hbm>>) dst(%dma_wait3A_20 : memref<632x128xf32, #tpu.memory_space<vmem_shared>>)
      tpu.yield
    }) : () -> ()
    "tpu.region"() ({
      %run_scoped3A = tpu.sem_alloc : memref<!tpu.dma_semaphore, #tpu.memory_space<semaphore_mem>>
      %dma_start3A = arith.constant 0 : i32
      %dma_start3A_19 = arith.constant 0 : i32
      %dma_start3A_20 = tpu.memref_slice %arg3[%add3A, %dma_start3A, %dma_start3A_19] : memref<32x79x128xi32, #tpu.memory_space<hbm>> -> memref<1x79x128xi32, #tpu.memory_space<hbm>>
      %dma_start3A_21 = tpu.memref_squeeze %dma_start3A_20 : memref<1x79x128xi32, #tpu.memory_space<hbm>> -> memref<79x128xi32, #tpu.memory_space<hbm>>
      %dma_start3A_22 = arith.constant 0 : i32
      %dma_start3A_23 = arith.constant 0 : i32
      %dma_start3A_24 = tpu.memref_slice %arg3[%add3A, %dma_start3A_22, %dma_start3A_23] : memref<32x79x128xi32, #tpu.memory_space<hbm>> -> memref<1x79x128xi32, #tpu.memory_space<hbm>>
      %dma_start3A_25 = tpu.memref_squeeze %dma_start3A_24 : memref<1x79x128xi32, #tpu.memory_space<hbm>> -> memref<79x128xi32, #tpu.memory_space<hbm>>
      tpu.enqueue_dma source(%dma_start3A_25 : memref<79x128xi32, #tpu.memory_space<hbm>>) target(%arg8 : memref<79x128xi32, #tpu.memory_space<vmem>>) target_semaphore(%run_scoped3A : memref<!tpu.dma_semaphore, #tpu.memory_space<semaphore_mem>>)
      %dma_wait3A = arith.constant 0 : i32
      %dma_wait3A_26 = arith.constant 0 : i32
      %dma_wait3A_27 = tpu.memref_slice %arg3[%add3A, %dma_wait3A, %dma_wait3A_26] : memref<32x79x128xi32, #tpu.memory_space<hbm>> -> memref<1x79x128xi32, #tpu.memory_space<hbm>>
      %dma_wait3A_28 = tpu.memref_squeeze %dma_wait3A_27 : memref<1x79x128xi32, #tpu.memory_space<hbm>> -> memref<79x128xi32, #tpu.memory_space<hbm>>
      %dma_wait3A_29 = arith.constant 0 : i32
      %dma_wait3A_30 = arith.constant 0 : i32
      %dma_wait3A_31 = tpu.memref_slice %arg3[%add3A, %dma_wait3A_29, %dma_wait3A_30] : memref<32x79x128xi32, #tpu.memory_space<hbm>> -> memref<1x79x128xi32, #tpu.memory_space<hbm>>
      %dma_wait3A_32 = tpu.memref_squeeze %dma_wait3A_31 : memref<1x79x128xi32, #tpu.memory_space<hbm>> -> memref<79x128xi32, #tpu.memory_space<hbm>>
      tpu.wait_dma2 semaphore(%run_scoped3A : memref<!tpu.dma_semaphore, #tpu.memory_space<semaphore_mem>>) src(%dma_wait3A_32 : memref<79x128xi32, #tpu.memory_space<hbm>>) dst(%arg8 : memref<79x128xi32, #tpu.memory_space<vmem>>)
      tpu.yield
    }) : () -> ()
    "tpu.region"() ({
      %run_scoped3A = tpu.sem_alloc : memref<!tpu.dma_semaphore, #tpu.memory_space<semaphore_mem>>
      %dma_start3A = arith.constant 0 : i32
      %dma_start3A_19 = arith.constant 0 : i32
      %dma_start3A_20 = tpu.memref_slice %arg4[%add3A, %dma_start3A, %dma_start3A_19] : memref<32x79x128xi32, #tpu.memory_space<hbm>> -> memref<1x79x128xi32, #tpu.memory_space<hbm>>
      %dma_start3A_21 = tpu.memref_squeeze %dma_start3A_20 : memref<1x79x128xi32, #tpu.memory_space<hbm>> -> memref<79x128xi32, #tpu.memory_space<hbm>>
      %dma_start3A_22 = arith.constant 0 : i32
      %dma_start3A_23 = arith.constant 0 : i32
      %dma_start3A_24 = tpu.memref_slice %arg4[%add3A, %dma_start3A_22, %dma_start3A_23] : memref<32x79x128xi32, #tpu.memory_space<hbm>> -> memref<1x79x128xi32, #tpu.memory_space<hbm>>
      %dma_start3A_25 = tpu.memref_squeeze %dma_start3A_24 : memref<1x79x128xi32, #tpu.memory_space<hbm>> -> memref<79x128xi32, #tpu.memory_space<hbm>>
      tpu.enqueue_dma source(%dma_start3A_25 : memref<79x128xi32, #tpu.memory_space<hbm>>) target(%arg9 : memref<79x128xi32, #tpu.memory_space<vmem>>) target_semaphore(%run_scoped3A : memref<!tpu.dma_semaphore, #tpu.memory_space<semaphore_mem>>)
      %dma_wait3A = arith.constant 0 : i32
      %dma_wait3A_26 = arith.constant 0 : i32
      %dma_wait3A_27 = tpu.memref_slice %arg4[%add3A, %dma_wait3A, %dma_wait3A_26] : memref<32x79x128xi32, #tpu.memory_space<hbm>> -> memref<1x79x128xi32, #tpu.memory_space<hbm>>
      %dma_wait3A_28 = tpu.memref_squeeze %dma_wait3A_27 : memref<1x79x128xi32, #tpu.memory_space<hbm>> -> memref<79x128xi32, #tpu.memory_space<hbm>>
      %dma_wait3A_29 = arith.constant 0 : i32
      %dma_wait3A_30 = arith.constant 0 : i32
      %dma_wait3A_31 = tpu.memref_slice %arg4[%add3A, %dma_wait3A_29, %dma_wait3A_30] : memref<32x79x128xi32, #tpu.memory_space<hbm>> -> memref<1x79x128xi32, #tpu.memory_space<hbm>>
      %dma_wait3A_32 = tpu.memref_squeeze %dma_wait3A_31 : memref<1x79x128xi32, #tpu.memory_space<hbm>> -> memref<79x128xi32, #tpu.memory_space<hbm>>
      tpu.wait_dma2 semaphore(%run_scoped3A : memref<!tpu.dma_semaphore, #tpu.memory_space<semaphore_mem>>) src(%dma_wait3A_32 : memref<79x128xi32, #tpu.memory_space<hbm>>) dst(%arg9 : memref<79x128xi32, #tpu.memory_space<vmem>>)
      tpu.yield
    }) : () -> ()
    "tpu.region"() ({
      %run_scoped3A = tpu.sem_alloc : memref<!tpu.dma_semaphore, #tpu.memory_space<semaphore_mem>>
      %dma_start3A = arith.constant 0 : i32
      %dma_start3A_19 = arith.constant 0 : i32
      %dma_start3A_20 = tpu.memref_slice %arg5[%add3A, %dma_start3A, %dma_start3A_19] : memref<32x79x128xi32, #tpu.memory_space<hbm>> -> memref<1x79x128xi32, #tpu.memory_space<hbm>>
      %dma_start3A_21 = tpu.memref_squeeze %dma_start3A_20 : memref<1x79x128xi32, #tpu.memory_space<hbm>> -> memref<79x128xi32, #tpu.memory_space<hbm>>
      %dma_start3A_22 = arith.constant 0 : i32
      %dma_start3A_23 = arith.constant 0 : i32
      %dma_start3A_24 = tpu.memref_slice %arg5[%add3A, %dma_start3A_22, %dma_start3A_23] : memref<32x79x128xi32, #tpu.memory_space<hbm>> -> memref<1x79x128xi32, #tpu.memory_space<hbm>>
      %dma_start3A_25 = tpu.memref_squeeze %dma_start3A_24 : memref<1x79x128xi32, #tpu.memory_space<hbm>> -> memref<79x128xi32, #tpu.memory_space<hbm>>
      tpu.enqueue_dma source(%dma_start3A_25 : memref<79x128xi32, #tpu.memory_space<hbm>>) target(%arg10 : memref<79x128xi32, #tpu.memory_space<vmem>>) target_semaphore(%run_scoped3A : memref<!tpu.dma_semaphore, #tpu.memory_space<semaphore_mem>>)
      %dma_wait3A = arith.constant 0 : i32
      %dma_wait3A_26 = arith.constant 0 : i32
      %dma_wait3A_27 = tpu.memref_slice %arg5[%add3A, %dma_wait3A, %dma_wait3A_26] : memref<32x79x128xi32, #tpu.memory_space<hbm>> -> memref<1x79x128xi32, #tpu.memory_space<hbm>>
      %dma_wait3A_28 = tpu.memref_squeeze %dma_wait3A_27 : memref<1x79x128xi32, #tpu.memory_space<hbm>> -> memref<79x128xi32, #tpu.memory_space<hbm>>
      %dma_wait3A_29 = arith.constant 0 : i32
      %dma_wait3A_30 = arith.constant 0 : i32
      %dma_wait3A_31 = tpu.memref_slice %arg5[%add3A, %dma_wait3A_29, %dma_wait3A_30] : memref<32x79x128xi32, #tpu.memory_space<hbm>> -> memref<1x79x128xi32, #tpu.memory_space<hbm>>
      %dma_wait3A_32 = tpu.memref_squeeze %dma_wait3A_31 : memref<1x79x128xi32, #tpu.memory_space<hbm>> -> memref<79x128xi32, #tpu.memory_space<hbm>>
      tpu.wait_dma2 semaphore(%run_scoped3A : memref<!tpu.dma_semaphore, #tpu.memory_space<semaphore_mem>>) src(%dma_wait3A_32 : memref<79x128xi32, #tpu.memory_space<hbm>>) dst(%arg10 : memref<79x128xi32, #tpu.memory_space<vmem>>)
      tpu.yield
    }) : () -> ()
    %scan3A = arith.constant 0 : i32
    %scan3A_3 = arith.constant 0 : i32
    %scan3A_4 = arith.constant 632 : i32
    %scan3A_5 = arith.addi %scan3A_3, %scan3A_4 : i32
    %scan3A_6 = arith.constant 1 : i32
    scf.for %scan3A_19 = %scan3A_3 to %scan3A_5 step %scan3A_6  : i32 {
      %jit3A = arith.constant 8 : i32
      %div3A = arith.divsi %scan3A_19, %jit3A : i32
      %sign3A = arith.constant 0 : i32
      %sign3A_20 = arith.cmpi sgt, %scan3A_19, %sign3A : i32
      %sign3A_21 = arith.extui %sign3A_20 : i1 to i32
      %sign3A_22 = arith.constant 0 : i32
      %sign3A_23 = arith.cmpi slt, %scan3A_19, %sign3A_22 : i32
      %sign3A_24 = arith.extui %sign3A_23 : i1 to i32
      %sign3A_25 = arith.subi %sign3A_21, %sign3A_24 : i32
      %sign3A_26 = arith.constant 0 : i32
      %sign3A_27 = arith.cmpi sgt, %jit3A, %sign3A_26 : i32
      %sign3A_28 = arith.extui %sign3A_27 : i1 to i32
      %sign3A_29 = arith.constant 0 : i32
      %sign3A_30 = arith.cmpi slt, %jit3A, %sign3A_29 : i32
      %sign3A_31 = arith.extui %sign3A_30 : i1 to i32
      %sign3A_32 = arith.subi %sign3A_28, %sign3A_31 : i32
      %ne3A = arith.cmpi ne, %sign3A_25, %sign3A_32 : i32
      %rem3A = arith.remsi %scan3A_19, %jit3A : i32
      %ne3A_33 = arith.constant 0 : i32
      %ne3A_34 = arith.cmpi ne, %rem3A, %ne3A_33 : i32
      %and3A = arith.andi %ne3A, %ne3A_34 : i1
      %sub3A = arith.constant 1 : i32
      %sub3A_35 = arith.subi %div3A, %sub3A : i32
      %select_n3A = arith.select %and3A, %sub3A_35, %div3A : i32
      %jit3A_36 = arith.constant 8 : i32
      %eq3A = arith.constant 0 : i32
      %eq3A_37 = arith.cmpi eq, %jit3A_36, %eq3A : i32
      %jit3A_38 = arith.constant 1 : i32
      %select_n3A_39 = arith.select %eq3A_37, %jit3A_38, %jit3A_36 : i32
      %rem3A_40 = arith.remsi %scan3A_19, %select_n3A_39 : i32
      %ne3A_41 = arith.constant 0 : i32
      %ne3A_42 = arith.cmpi ne, %rem3A_40, %ne3A_41 : i32
      %lt3A = arith.constant 0 : i32
      %lt3A_43 = arith.cmpi slt, %rem3A_40, %lt3A : i32
      %lt3A_44 = arith.constant 0 : i32
      %lt3A_45 = arith.cmpi slt, %select_n3A_39, %lt3A_44 : i32
      %ne3A_46 = arith.xori %lt3A_43, %lt3A_45 : i1
      %and3A_47 = arith.andi %ne3A_46, %ne3A_42 : i1
      %add3A_48 = arith.addi %rem3A_40, %select_n3A_39 : i32
      %select_n3A_49 = arith.select %and3A_47, %add3A_48, %rem3A_40 : i32
      %mul3A_50 = arith.constant 16 : i32
      %mul3A_51 = arith.muli %select_n3A_49, %mul3A_50 : i32
      %get3A = arith.index_cast %select_n3A : i32 to index
      %get3A_52 = arith.index_cast %mul3A_51 : i32 to index
      %get3A_53 = tpu.vector_load %arg9[%get3A, %get3A_52] {strides = array<i32>} : memref<79x128xi32, #tpu.memory_space<vmem>>, vector<1x16xi32>,
      %get3A_54 = vector.shape_cast %get3A_53 : vector<1x16xi32> to vector<16xi32>
      %get3A_55 = arith.index_cast %select_n3A : i32 to index
      %get3A_56 = arith.index_cast %mul3A_51 : i32 to index
      %get3A_57 = tpu.vector_load %arg8[%get3A_55, %get3A_56] {strides = array<i32>} : memref<79x128xi32, #tpu.memory_space<vmem>>, vector<1x16xi32>,
      %get3A_58 = vector.shape_cast %get3A_57 : vector<1x16xi32> to vector<16xi32>
      %mul3A_59 = arith.constant 10000 : i32
      %mul3A_60 = vector.broadcast %mul3A_59 : i32 to vector<16xi32>
      %mul3A_61 = arith.muli %get3A_54, %mul3A_60 : vector<16xi32>
      %add3A_62 = arith.addi %mul3A_61, %get3A_58 : vector<16xi32>
      %swap3A = arith.index_cast %select_n3A : i32 to index
      %swap3A_63 = arith.index_cast %mul3A_51 : i32 to index
      %swap3A_64 = tpu.vector_load %arg8[%swap3A, %swap3A_63] {strides = array<i32>} : memref<79x128xi32, #tpu.memory_space<vmem>>, vector<1x16xi32>,
      %swap3A_65 = vector.shape_cast %swap3A_64 : vector<1x16xi32> to vector<16xi32>
      %swap3A_66 = vector.shape_cast %add3A_62 : vector<16xi32> to vector<1x16xi32>
      tpu.vector_store %arg8[%swap3A, %swap3A_63], %swap3A_66 {strides = array<i32>} : memref<79x128xi32, #tpu.memory_space<vmem>>, vector<1x16xi32>,
    }
    %scan3A_7 = arith.constant 632 : i32
    %barrier3A = arith.constant 0 : index
    tpu.barrier barrier_id(%barrier3A)
    %scan3A_8 = arith.constant 0 : i32
    %scan3A_9 = arith.constant 0 : i32
    %scan3A_10 = arith.constant 79 : i32
    %scan3A_11 = arith.addi %scan3A_9, %scan3A_10 : i32
    %scan3A_12 = arith.constant 1 : i32
    scf.for %scan3A_19 = %scan3A_9 to %scan3A_11 step %scan3A_12  : i32 {
      %dma_start3A = arith.constant 0 : i32
      %dma_start3A_20 = tpu.memref_slice %arg8[%scan3A_19, %dma_start3A] : memref<79x128xi32, #tpu.memory_space<vmem>> -> memref<1x128xi32, #tpu.memory_space<vmem>>
      %dma_start3A_21 = tpu.memref_squeeze %dma_start3A_20 : memref<1x128xi32, #tpu.memory_space<vmem>> -> memref<128xi32, #tpu.memory_space<vmem>>
      %dma_start3A_22 = arith.constant 0 : i32
      %dma_start3A_23 = arith.constant 0 : i32
      %dma_start3A_24 = tpu.memref_slice %arg2[%dma_start3A_22, %dma_start3A_23] : memref<270000x128xf32, #tpu.memory_space<hbm>> -> memref<270000x128xf32, #tpu.memory_space<hbm>>
      tpu.enqueue_indirect_dma source(%dma_start3A_24 : memref<270000x128xf32, #tpu.memory_space<hbm>>) target(%arg11 : memref<128x128xf32, #tpu.memory_space<vmem>>) offsets(%dma_start3A_21 : memref<128xi32, #tpu.memory_space<vmem>>) semaphore(%arg13 : memref<!tpu.dma_semaphore, #tpu.memory_space<semaphore_mem>>)
      %dma_wait3A = arith.constant 0 : i32
      %dma_wait3A_25 = tpu.memref_slice %arg8[%scan3A_19, %dma_wait3A] : memref<79x128xi32, #tpu.memory_space<vmem>> -> memref<1x128xi32, #tpu.memory_space<vmem>>
      %dma_wait3A_26 = tpu.memref_squeeze %dma_wait3A_25 : memref<1x128xi32, #tpu.memory_space<vmem>> -> memref<128xi32, #tpu.memory_space<vmem>>
      %dma_wait3A_27 = arith.constant 0 : i32
      %dma_wait3A_28 = arith.constant 0 : i32
      %dma_wait3A_29 = tpu.memref_slice %arg2[%dma_wait3A_27, %dma_wait3A_28] : memref<270000x128xf32, #tpu.memory_space<hbm>> -> memref<270000x128xf32, #tpu.memory_space<hbm>>
      tpu.wait_indirect_dma semaphore(%arg13 : memref<!tpu.dma_semaphore, #tpu.memory_space<semaphore_mem>>) src(%dma_wait3A_29 : memref<270000x128xf32, #tpu.memory_space<hbm>>) dst(%arg11 : memref<128x128xf32, #tpu.memory_space<vmem>>)
      "tpu.region"() ({
        %run_scoped3A = tpu.sem_alloc : memref<!tpu.dma_semaphore, #tpu.memory_space<semaphore_mem>>
        %dma_start3A_30 = arith.constant 0 : i32
        %dma_start3A_31 = tpu.memref_slice %arg10[%scan3A_19, %dma_start3A_30] : memref<79x128xi32, #tpu.memory_space<vmem>> -> memref<1x128xi32, #tpu.memory_space<vmem>>
        %dma_start3A_32 = tpu.memref_squeeze %dma_start3A_31 : memref<1x128xi32, #tpu.memory_space<vmem>> -> memref<128xi32, #tpu.memory_space<vmem>>
        %dma_start3A_33 = arith.constant 0 : i32
        %dma_start3A_34 = arith.constant 0 : i32
        %dma_start3A_35 = tpu.memref_slice %arg12[%dma_start3A_33, %dma_start3A_34] : memref<10112x128xf32, #tpu.memory_space<vmem_shared>> -> memref<10112x128xf32, #tpu.memory_space<vmem_shared>>
        tpu.enqueue_indirect_dma source(%arg11 : memref<128x128xf32, #tpu.memory_space<vmem>>) target(%dma_start3A_35 : memref<10112x128xf32, #tpu.memory_space<vmem_shared>>) offsets(%dma_start3A_32 : memref<128xi32, #tpu.memory_space<vmem>>) semaphore(%run_scoped3A : memref<!tpu.dma_semaphore, #tpu.memory_space<semaphore_mem>>) {add = true}
        %dma_wait3A_36 = arith.constant 0 : i32
        %dma_wait3A_37 = tpu.memref_slice %arg10[%scan3A_19, %dma_wait3A_36] : memref<79x128xi32, #tpu.memory_space<vmem>> -> memref<1x128xi32, #tpu.memory_space<vmem>>
        %dma_wait3A_38 = tpu.memref_squeeze %dma_wait3A_37 : memref<1x128xi32, #tpu.memory_space<vmem>> -> memref<128xi32, #tpu.memory_space<vmem>>
        %dma_wait3A_39 = arith.constant 0 : i32
        %dma_wait3A_40 = arith.constant 0 : i32
        %dma_wait3A_41 = tpu.memref_slice %arg12[%dma_wait3A_39, %dma_wait3A_40] : memref<10112x128xf32, #tpu.memory_space<vmem_shared>> -> memref<10112x128xf32, #tpu.memory_space<vmem_shared>>
        tpu.wait_indirect_dma semaphore(%run_scoped3A : memref<!tpu.dma_semaphore, #tpu.memory_space<semaphore_mem>>) src(%arg11 : memref<128x128xf32, #tpu.memory_space<vmem>>) dst(%dma_wait3A_41 : memref<10112x128xf32, #tpu.memory_space<vmem_shared>>)
        tpu.yield
      }) : () -> ()
    }
    %scan3A_13 = arith.constant 79 : i32
    %barrier3A_14 = arith.constant 0 : index
    tpu.barrier barrier_id(%barrier3A_14)
    %mul3A_15 = arith.constant 632 : i32
    %mul3A_16 = arith.muli %arg1, %mul3A_15 : i32
    %mul3A_17 = arith.constant 632 : i32
    %mul3A_18 = arith.muli %arg1, %mul3A_17 : i32
    "tpu.region"() ({
      %run_scoped3A = tpu.sem_alloc : memref<!tpu.dma_semaphore, #tpu.memory_space<semaphore_mem>>
      %dma_start3A = arith.constant 0 : i32
      %dma_start3A_19 = tpu.memref_slice %arg7[%arg0, %mul3A_18, %dma_start3A] : memref<2x10112x128xf32, #tpu.memory_space<hbm>> -> memref<1x632x128xf32, #tpu.memory_space<hbm>>
      %dma_start3A_20 = tpu.memref_squeeze %dma_start3A_19 : memref<1x632x128xf32, #tpu.memory_space<hbm>> -> memref<632x128xf32, #tpu.memory_space<hbm>>
      %dma_start3A_21 = arith.constant 0 : i32
      %dma_start3A_22 = tpu.memref_slice %arg12[%mul3A_16, %dma_start3A_21] : memref<10112x128xf32, #tpu.memory_space<vmem_shared>> -> memref<632x128xf32, #tpu.memory_space<vmem_shared>>
      tpu.enqueue_dma source(%dma_start3A_22 : memref<632x128xf32, #tpu.memory_space<vmem_shared>>) target(%dma_start3A_20 : memref<632x128xf32, #tpu.memory_space<hbm>>) target_semaphore(%run_scoped3A : memref<!tpu.dma_semaphore, #tpu.memory_space<semaphore_mem>>)
      %dma_wait3A = arith.constant 0 : i32
      %dma_wait3A_23 = tpu.memref_slice %arg7[%arg0, %mul3A_18, %dma_wait3A] : memref<2x10112x128xf32, #tpu.memory_space<hbm>> -> memref<1x632x128xf32, #tpu.memory_space<hbm>>
      %dma_wait3A_24 = tpu.memref_squeeze %dma_wait3A_23 : memref<1x632x128xf32, #tpu.memory_space<hbm>> -> memref<632x128xf32, #tpu.memory_space<hbm>>
      %dma_wait3A_25 = arith.constant 0 : i32
      %dma_wait3A_26 = tpu.memref_slice %arg12[%mul3A_16, %dma_wait3A_25] : memref<10112x128xf32, #tpu.memory_space<vmem_shared>> -> memref<632x128xf32, #tpu.memory_space<vmem_shared>>
      tpu.wait_dma2 semaphore(%run_scoped3A : memref<!tpu.dma_semaphore, #tpu.memory_space<semaphore_mem>>) src(%dma_wait3A_26 : memref<632x128xf32, #tpu.memory_space<vmem_shared>>) dst(%dma_wait3A_24 : memref<632x128xf32, #tpu.memory_space<hbm>>)
      tpu.yield
    }) : () -> ()
    return
  }
}

module attributes {stable_mosaic.version = 14 : i64} {
  func.func @_einsum_body(%arg0: i32, %arg1: i32, %arg2: memref<2000x128xf32, #tpu.memory_space<vmem>>, %arg3: memref<1x128x128xf32, #tpu.memory_space<vmem>>, %arg4: memref<1x2000x128xf32, #tpu.memory_space<vmem>>) attributes {dimension_semantics = [#tpu.dimension_semantics<arbitrary>, #tpu.dimension_semantics<arbitrary>], iteration_bounds = array<i64: 5, 27>, scalar_prefetch = 0 : i64, scratch_operands = 0 : i64, tpu.core_type = #tpu.core_type<tc>, window_params = [{transform_indices = @transform_0, window_bounds = array<i64: 2000, 128>}, {transform_indices = @transform_1, window_bounds = array<i64: 1, 128, 128>}, {transform_indices = @transform_2, window_bounds = array<i64: 1, 2000, 128>}]} {
    %get3A = arith.constant 0 : index
    %get3A_0 = arith.constant 0 : index
    %get3A_1 = vector.load %arg2[%get3A, %get3A_0] : memref<2000x128xf32, #tpu.memory_space<vmem>>, vector<2000x128xf32>
    %get3A_2 = arith.constant 0 : index
    %get3A_3 = arith.constant 0 : index
    %get3A_4 = arith.constant 0 : index
    %get3A_5 = vector.load %arg3[%get3A_2, %get3A_3, %get3A_4] : memref<1x128x128xf32, #tpu.memory_space<vmem>>, vector<1x128x128xf32>
    %get3A_6 = vector.shape_cast %get3A_5 : vector<1x128x128xf32> to vector<128x128xf32>
    %dot_general3A = arith.constant dense<0.000000e+00> : vector<2000x128xf32>
    %dot_general3A_7 = tpu.matmul %get3A_1, %get3A_6, %dot_general3A {dimension_numbers = #tpu.dot_dimension_numbers<[1], [0], [0], [1], [0, 0, 1, 1], [], []>, transpose_lhs_hint = false} : vector<2000x128xf32>, vector<128x128xf32>, vector<2000x128xf32> -> vector<2000x128xf32>
    %swap3A = arith.constant 0 : index
    %swap3A_8 = arith.constant 0 : index
    %swap3A_9 = arith.constant 0 : index
    %swap3A_10 = vector.load %arg4[%swap3A, %swap3A_8, %swap3A_9] : memref<1x2000x128xf32, #tpu.memory_space<vmem>>, vector<1x2000x128xf32>
    %swap3A_11 = vector.shape_cast %swap3A_10 : vector<1x2000x128xf32> to vector<2000x128xf32>
    %swap3A_12 = vector.shape_cast %dot_general3A_7 : vector<2000x128xf32> to vector<1x2000x128xf32>
    tpu.vector_store %arg4[%swap3A, %swap3A_8, %swap3A_9], %swap3A_12 {strides = array<i32>} : memref<1x2000x128xf32, #tpu.memory_space<vmem>>, vector<1x2000x128xf32>,
    return
  }
  func.func @transform_0(%arg0: i32, %arg1: i32) -> (i32, i32) {
    %c0_i32 = arith.constant 0 : i32
    %c0_i32_0 = arith.constant 0 : i32
    return %arg0, %c0_i32 : i32, i32
  }
  func.func @transform_1(%arg0: i32, %arg1: i32) -> (i32, i32, i32) {
    %c0_i32 = arith.constant 0 : i32
    %c0_i32_0 = arith.constant 0 : i32
    %c0_i32_1 = arith.constant 0 : i32
    return %arg1, %c0_i32, %c0_i32_0 : i32, i32, i32
  }
  func.func @transform_2(%arg0: i32, %arg1: i32) -> (i32, i32, i32) {
    %c0_i32 = arith.constant 0 : i32
    %c0_i32_0 = arith.constant 0 : i32
    return %arg1, %arg0, %c0_i32 : i32, i32, i32
  }
}

module attributes {stable_mosaic.version = 14 : i64} {
  func.func @_bn_silu_body(%arg0: memref<2x10112x128xf32, #tpu.memory_space<vmem>>, %arg1: memref<1x128xf32, #tpu.memory_space<vmem>>, %arg2: memref<1x128xf32, #tpu.memory_space<vmem>>, %arg3: memref<10000x128xf32, #tpu.memory_space<vmem>>) attributes {dimension_semantics = [], scalar_prefetch = 0 : i64, scratch_operands = 0 : i64, tpu.core_type = #tpu.core_type<tc>} {
    %get3A = arith.constant 0 : index
    %get3A_0 = arith.constant 0 : index
    %get3A_1 = arith.constant 0 : index
    %get3A_2 = vector.load %arg0[%get3A, %get3A_0, %get3A_1] : memref<2x10112x128xf32, #tpu.memory_space<vmem>>, vector<1x10000x128xf32>
    %get3A_3 = vector.shape_cast %get3A_2 : vector<1x10000x128xf32> to vector<10000x128xf32>
    %get3A_4 = arith.constant 1 : index
    %get3A_5 = arith.constant 0 : index
    %get3A_6 = arith.constant 0 : index
    %get3A_7 = vector.load %arg0[%get3A_4, %get3A_5, %get3A_6] : memref<2x10112x128xf32, #tpu.memory_space<vmem>>, vector<1x10000x128xf32>
    %get3A_8 = vector.shape_cast %get3A_7 : vector<1x10000x128xf32> to vector<10000x128xf32>
    %add3A = arith.addf %get3A_3, %get3A_8 : vector<10000x128xf32>
    %reduce_sum3A = arith.constant dense<0.000000e+00> : vector<128xf32>
    %reduce_sum3A_9 = vector.multi_reduction <add>, %add3A, %reduce_sum3A [0] : vector<10000x128xf32> to vector<128xf32>
    %broadcast_in_dim3A = vector.shape_cast %reduce_sum3A_9 : vector<128xf32> to vector<1x128xf32>
    %div3A = arith.constant 1.000000e+04 : f32
    %div3A_10 = vector.broadcast %div3A : f32 to vector<1x128xf32>
    %div3A_11 = arith.divf %broadcast_in_dim3A, %div3A_10 : vector<1x128xf32>
    %sub3A = vector.broadcast %div3A_11 : vector<1x128xf32> to vector<10000x128xf32>
    %sub3A_12 = arith.subf %add3A, %sub3A : vector<10000x128xf32>
    %integer_pow3A = arith.mulf %sub3A_12, %sub3A_12 : vector<10000x128xf32>
    %reduce_sum3A_13 = arith.constant dense<0.000000e+00> : vector<128xf32>
    %reduce_sum3A_14 = vector.multi_reduction <add>, %integer_pow3A, %reduce_sum3A_13 [0] : vector<10000x128xf32> to vector<128xf32>
    %broadcast_in_dim3A_15 = vector.shape_cast %reduce_sum3A_14 : vector<128xf32> to vector<1x128xf32>
    %div3A_16 = arith.constant 1.000000e+04 : f32
    %div3A_17 = vector.broadcast %div3A_16 : f32 to vector<1x128xf32>
    %div3A_18 = arith.divf %broadcast_in_dim3A_15, %div3A_17 : vector<1x128xf32>
    %sub3A_19 = vector.broadcast %div3A_11 : vector<1x128xf32> to vector<10000x128xf32>
    %sub3A_20 = arith.subf %add3A, %sub3A_19 : vector<10000x128xf32>
    %add3A_21 = arith.constant 9.99999974E-6 : f32
    %add3A_22 = vector.broadcast %add3A_21 : f32 to vector<1x128xf32>
    %add3A_23 = arith.addf %div3A_18, %add3A_22 : vector<1x128xf32>
    %rsqrt3A = math.rsqrt %add3A_23 : vector<1x128xf32>
    %mul3A = vector.broadcast %rsqrt3A : vector<1x128xf32> to vector<10000x128xf32>
    %mul3A_24 = arith.mulf %sub3A_20, %mul3A : vector<10000x128xf32>
    %get3A_25 = arith.constant 0 : index
    %get3A_26 = arith.constant 0 : index
    %get3A_27 = vector.load %arg1[%get3A_25, %get3A_26] : memref<1x128xf32, #tpu.memory_space<vmem>>, vector<1x128xf32>
    %get3A_28 = vector.shape_cast %get3A_27 : vector<1x128xf32> to vector<128xf32>
    %broadcast_in_dim3A_29 = vector.shape_cast %get3A_28 : vector<128xf32> to vector<1x128xf32>
    %mul3A_30 = vector.broadcast %broadcast_in_dim3A_29 : vector<1x128xf32> to vector<10000x128xf32>
    %mul3A_31 = arith.mulf %mul3A_24, %mul3A_30 : vector<10000x128xf32>
    %get3A_32 = arith.constant 0 : index
    %get3A_33 = arith.constant 0 : index
    %get3A_34 = vector.load %arg2[%get3A_32, %get3A_33] : memref<1x128xf32, #tpu.memory_space<vmem>>, vector<1x128xf32>
    %get3A_35 = vector.shape_cast %get3A_34 : vector<1x128xf32> to vector<128xf32>
    %broadcast_in_dim3A_36 = vector.shape_cast %get3A_35 : vector<128xf32> to vector<1x128xf32>
    %add3A_37 = vector.broadcast %broadcast_in_dim3A_36 : vector<1x128xf32> to vector<10000x128xf32>
    %add3A_38 = arith.addf %mul3A_31, %add3A_37 : vector<10000x128xf32>
    %logistic3A = arith.negf %add3A_38 : vector<10000x128xf32>
    %logistic3A_39 = math.exp %logistic3A : vector<10000x128xf32>
    %logistic3A_40 = arith.constant 1.000000e+00 : f32
    %logistic3A_41 = vector.broadcast %logistic3A_40 : f32 to vector<10000x128xf32>
    %logistic3A_42 = arith.addf %logistic3A_41, %logistic3A_39 : vector<10000x128xf32>
    %logistic3A_43 = arith.divf %logistic3A_41, %logistic3A_42 : vector<10000x128xf32>
    %mul3A_44 = arith.mulf %add3A_38, %logistic3A_43 : vector<10000x128xf32>
    %swap3A = arith.constant 0 : index
    %swap3A_45 = arith.constant 0 : index
    %swap3A_46 = vector.load %arg3[%swap3A, %swap3A_45] : memref<10000x128xf32, #tpu.memory_space<vmem>>, vector<10000x128xf32>
    tpu.vector_store %arg3[%swap3A, %swap3A_45], %mul3A_44 {strides = array<i32>} : memref<10000x128xf32, #tpu.memory_space<vmem>>, vector<10000x128xf32>,
    return
  }
}

module attributes {stable_mosaic.version = 14 : i64} {
  func.func @_final_body(%arg0: memref<10000x128xf32, #tpu.memory_space<vmem>>, %arg1: memref<128x128xf32, #tpu.memory_space<vmem>>, %arg2: memref<1x128xf32, #tpu.memory_space<vmem>>, %arg3: memref<1x128xf32, #tpu.memory_space<vmem>>, %arg4: memref<1x128xf32, #tpu.memory_space<vmem>>, %arg5: memref<2x10112x128xf32, #tpu.memory_space<vmem>>, %arg6: memref<10000x128xf32, #tpu.memory_space<vmem>>) attributes {dimension_semantics = [], scalar_prefetch = 0 : i64, scratch_operands = 0 : i64, tpu.core_type = #tpu.core_type<tc>} {
    %get3A = arith.constant 0 : index
    %get3A_0 = arith.constant 0 : index
    %get3A_1 = vector.load %arg0[%get3A, %get3A_0] : memref<10000x128xf32, #tpu.memory_space<vmem>>, vector<10000x128xf32>
    %get3A_2 = arith.constant 0 : index
    %get3A_3 = arith.constant 0 : index
    %get3A_4 = vector.load %arg1[%get3A_2, %get3A_3] : memref<128x128xf32, #tpu.memory_space<vmem>>, vector<128x128xf32>
    %dot_general3A = arith.constant dense<0.000000e+00> : vector<10000x128xf32>
    %dot_general3A_5 = tpu.matmul %get3A_1, %get3A_4, %dot_general3A {dimension_numbers = #tpu.dot_dimension_numbers<[1], [0], [0], [1], [0, 0, 1, 1], [], []>, transpose_lhs_hint = false} : vector<10000x128xf32>, vector<128x128xf32>, vector<10000x128xf32> -> vector<10000x128xf32>
    %get3A_6 = arith.constant 0 : index
    %get3A_7 = arith.constant 0 : index
    %get3A_8 = vector.load %arg2[%get3A_6, %get3A_7] : memref<1x128xf32, #tpu.memory_space<vmem>>, vector<1x128xf32>
    %get3A_9 = vector.shape_cast %get3A_8 : vector<1x128xf32> to vector<128xf32>
    %broadcast_in_dim3A = vector.shape_cast %get3A_9 : vector<128xf32> to vector<1x128xf32>
    %add3A = vector.broadcast %broadcast_in_dim3A : vector<1x128xf32> to vector<10000x128xf32>
    %add3A_10 = arith.addf %dot_general3A_5, %add3A : vector<10000x128xf32>
    %reduce_sum3A = arith.constant dense<0.000000e+00> : vector<128xf32>
    %reduce_sum3A_11 = vector.multi_reduction <add>, %add3A_10, %reduce_sum3A [0] : vector<10000x128xf32> to vector<128xf32>
    %broadcast_in_dim3A_12 = vector.shape_cast %reduce_sum3A_11 : vector<128xf32> to vector<1x128xf32>
    %div3A = arith.constant 1.000000e+04 : f32
    %div3A_13 = vector.broadcast %div3A : f32 to vector<1x128xf32>
    %div3A_14 = arith.divf %broadcast_in_dim3A_12, %div3A_13 : vector<1x128xf32>
    %sub3A = vector.broadcast %div3A_14 : vector<1x128xf32> to vector<10000x128xf32>
    %sub3A_15 = arith.subf %add3A_10, %sub3A : vector<10000x128xf32>
    %integer_pow3A = arith.mulf %sub3A_15, %sub3A_15 : vector<10000x128xf32>
    %reduce_sum3A_16 = arith.constant dense<0.000000e+00> : vector<128xf32>
    %reduce_sum3A_17 = vector.multi_reduction <add>, %integer_pow3A, %reduce_sum3A_16 [0] : vector<10000x128xf32> to vector<128xf32>
    %broadcast_in_dim3A_18 = vector.shape_cast %reduce_sum3A_17 : vector<128xf32> to vector<1x128xf32>
    %div3A_19 = arith.constant 1.000000e+04 : f32
    %div3A_20 = vector.broadcast %div3A_19 : f32 to vector<1x128xf32>
    %div3A_21 = arith.divf %broadcast_in_dim3A_18, %div3A_20 : vector<1x128xf32>
    %sub3A_22 = vector.broadcast %div3A_14 : vector<1x128xf32> to vector<10000x128xf32>
    %sub3A_23 = arith.subf %add3A_10, %sub3A_22 : vector<10000x128xf32>
    %add3A_24 = arith.constant 9.99999974E-6 : f32
    %add3A_25 = vector.broadcast %add3A_24 : f32 to vector<1x128xf32>
    %add3A_26 = arith.addf %div3A_21, %add3A_25 : vector<1x128xf32>
    %rsqrt3A = math.rsqrt %add3A_26 : vector<1x128xf32>
    %mul3A = vector.broadcast %rsqrt3A : vector<1x128xf32> to vector<10000x128xf32>
    %mul3A_27 = arith.mulf %sub3A_23, %mul3A : vector<10000x128xf32>
    %get3A_28 = arith.constant 0 : index
    %get3A_29 = arith.constant 0 : index
    %get3A_30 = vector.load %arg3[%get3A_28, %get3A_29] : memref<1x128xf32, #tpu.memory_space<vmem>>, vector<1x128xf32>
    %get3A_31 = vector.shape_cast %get3A_30 : vector<1x128xf32> to vector<128xf32>
    %broadcast_in_dim3A_32 = vector.shape_cast %get3A_31 : vector<128xf32> to vector<1x128xf32>
    %mul3A_33 = vector.broadcast %broadcast_in_dim3A_32 : vector<1x128xf32> to vector<10000x128xf32>
    %mul3A_34 = arith.mulf %mul3A_27, %mul3A_33 : vector<10000x128xf32>
    %get3A_35 = arith.constant 0 : index
    %get3A_36 = arith.constant 0 : index
    %get3A_37 = vector.load %arg4[%get3A_35, %get3A_36] : memref<1x128xf32, #tpu.memory_space<vmem>>, vector<1x128xf32>
    %get3A_38 = vector.shape_cast %get3A_37 : vector<1x128xf32> to vector<128xf32>
    %broadcast_in_dim3A_39 = vector.shape_cast %get3A_38 : vector<128xf32> to vector<1x128xf32>
    %add3A_40 = vector.broadcast %broadcast_in_dim3A_39 : vector<1x128xf32> to vector<10000x128xf32>
    %add3A_41 = arith.addf %mul3A_34, %add3A_40 : vector<10000x128xf32>
    %max3A = arith.constant 0.000000e+00 : f32
    %max3A_42 = vector.broadcast %max3A : f32 to vector<10000x128xf32>
    %max3A_43 = arith.maximumf %add3A_41, %max3A_42 : vector<10000x128xf32>
    %get3A_44 = arith.constant 0 : index
    %get3A_45 = arith.constant 0 : index
    %get3A_46 = arith.constant 0 : index
    %get3A_47 = vector.load %arg5[%get3A_44, %get3A_45, %get3A_46] : memref<2x10112x128xf32, #tpu.memory_space<vmem>>, vector<1x10000x128xf32>
    %get3A_48 = vector.shape_cast %get3A_47 : vector<1x10000x128xf32> to vector<10000x128xf32>
    %get3A_49 = arith.constant 1 : index
    %get3A_50 = arith.constant 0 : index
    %get3A_51 = arith.constant 0 : index
    %get3A_52 = vector.load %arg5[%get3A_49, %get3A_50, %get3A_51] : memref<2x10112x128xf32, #tpu.memory_space<vmem>>, vector<1x10000x128xf32>
    %get3A_53 = vector.shape_cast %get3A_52 : vector<1x10000x128xf32> to vector<10000x128xf32>
    %add3A_54 = arith.addf %get3A_48, %get3A_53 : vector<10000x128xf32>
    %add3A_55 = arith.addf %add3A_54, %max3A_43 : vector<10000x128xf32>
    %swap3A = arith.constant 0 : index
    %swap3A_56 = arith.constant 0 : index
    %swap3A_57 = vector.load %arg6[%swap3A, %swap3A_56] : memref<10000x128xf32, #tpu.memory_space<vmem>>, vector<10000x128xf32>
    tpu.vector_store %arg6[%swap3A, %swap3A_56], %add3A_55 {strides = array<i32>} : memref<10000x128xf32, #tpu.memory_space<vmem>>, vector<10000x128xf32>,
    return
  }
}

</mosaic_0001>

<sc_bundles>
// kernel: kernel.11.cloned.1.call-start
scs
__scs_entry_jumppad:
0x0: {  	(pc) =	sbr.rel $0x88, $3  }
0x1: {  	(tag) =	ssettag $0x0;
	lr =	simm.s32 $0x1  }
0x2: {  	[smem:$0x3F95] =	sst lr;
	_ =	strace $0xD0000000  }
0x3: {  	_ = 	snop  }
0x4: {  	_ = 	snop  }
0x5: {  	_ = 	snop  }
0x6: {  	_ = 	snop  }
0x7: {  	_ = 	snop  }
__scs_overlays_trampoline_lowered:
0x8: {  	[smem:$0x3FA4] =	sst s0  }
0x9: {  	[smem:$0x3FA5] =	sst s1  }
0xa: {  	[smem:$0x3FA6] =	sst s2  }
0xb: {  	[smem:$0x3FA7] =	sst s3  }
0xc: {  	[smem:$0x3FA8] =	sst s4  }
0xd: {  	[smem:$0x3FA9] =	sst s5  }
0xe: {  	[smem:$0x3FAA] =	sst s6  }
0xf: {  	[smem:$0x3FAB] =	sst s7  }
0x10: {  	[smem:$0x3FAC] =	sst s8  }
0x11: {  	[smem:$0x3FAD] =	sst s9;
	s0 =	simm.s32 @!p0 $0x0  }
0x12: {  	s1 =	sld [smem:$0x3F93];
	s0 =	simm.s32 @p0 $0x1  }
0x13: {  	[smem:$0x3FAE] =	sst s0;
	s0 =	simm.s32 @!p1 $0x0  }
0x14: {  	s2 =	sld [smem:$0x3F92];
	s0 =	simm.s32 @p1 $0x1  }
0x15: {  	[smem:$0x3FAF] =	sst s0;
	s0 =	simm.s32 @!p2 $0x0  }
0x16: {  	s3 =	sld [smem:$0x3FDB];
	s0 =	simm.s32 @p2 $0x1  }
0x17: {  	s4 =	simm.s32 $0x1BF5;
	[smem:$0x3FB1] =	sst s0  }
0x18: {  	s0 =	sld [smem:$0x3F94];
	_ =	swait.ge [sflag:s4], $0x0  }
0x19: {  	s7 =	sld [smem:$0x3F95]  }
0x1a: {  	s8 =	sadd.s32 $0xFFFFE003, lr  }
0x1b: {  	s9 =	sadd.s32 $0xFFFFFEF7, lr;
	s5 =	simm.s32 $0xFFFFFFFF;
	p2 =	slt.u32 s8, $0xFFFFF086  }
0x1c: {  	p1 =	slt.u32 s9, $0xF7A;
	s5 =	simm.s32 @!p2 $0x0  }
0x1d: {  	s5 =	simm.s32 @p1 $0x1;
	p0 =	seq.s32 s7, s2  }
0x1e: {  	s7 =	smul.u32 @!p0 $0xF7A, s2;
	p2 =	seq.s32 @!p0 s5, $0x0  }
0x1f: {  	s9 =	smul.u32 $0xF7A, s1;
	s8 =	simm.s32 @!p0 $0x1BF5;
	p2 =	por !p2, p0  }
0x20: {  	[sflag:s8] =	ssyncset.s32 @!p0 $0xFFFFF086;
	s6 =	sadd.s32 @!p0 s3, s7;
	s7 =	simm.s32 @!p0 $0x108  }
0x21: {  	s3 =	sadd.s32 s3, s9;
	s6 =	sadd.s32 @!p0 $0x88, s6;
	s7 =	simm.s32 @p2 $0x1082  }
0x22: {  	[simem:s7], [sflag:s8] =	dma.local @!p0 [hbm:s6], $0xF7A  }
0x23: {  	s9 =	sor.u32 $0xD0000000, s2;
	s6 =	simm.s32 $0x108;
	_ =	swait.ge @!p0 [sflag:s8], $0x0  }
0x24: {  	s3 =	sadd.s32 $0x88, s3;
	s6 =	simm.s32 @!p1 $0x1082;
	[sflag:s4] =	ssyncset.s32 $0xFFFFF086  }
0x25: {  	[simem:s6], [sflag:s4] =	dma.local [hbm:s3], $0xF7A  }
0x26: {  	[smem:$0x3F95] =	sst s1;
	(tag) =	ssettag s2;
	_ =	strace s9  }
0x27: {  	s1 =	sld [smem:$0x3FA5]  }
0x28: {  	s2 =	sld [smem:$0x3FA6]  }
0x29: {  	s4 =	sld [smem:$0x3FA8]  }
0x2a: {  	p0 =	seq.s32 s5, $0x0;
	s5 =	sld [smem:$0x3FA9]  }
0x2b: {  	s6 =	sld [smem:$0x3FAA]  }
0x2c: {  	s7 =	sld [smem:$0x3FAB]  }
0x2d: {  	s3 =	simm.s32 $0x108;
	s8 =	sld [smem:$0x3FAC]  }
0x2e: {  	s3 =	simm.s32 @!p0 $0x1082;
	s9 =	sld [smem:$0x3FAD]  }
0x2f: {  	lr =	sadd.s32 s0, s3;
	s0 =	sld [smem:$0x3FA4]  }
0x30: {  	s3 =	sld [smem:$0x3FA7]  }
0x31: {  	[smem:$0x3FB0] =	sst s10  }
0x32: {  	s10 =	sld [smem:$0x3FAE];
	_ =	sdelay $0x3  }
0x33: {  	p0 =	seq.s32 s10, $0x1;
	s10 =	sld [smem:$0x3FB0];
	_ =	sdelay $0x3  }
0x34: {  	[smem:$0x3FB0] =	sst s10  }
0x35: {  	s10 =	sld [smem:$0x3FAF];
	_ =	sdelay $0x3  }
0x36: {  	p1 =	seq.s32 s10, $0x1;
	s10 =	sld [smem:$0x3FB0];
	_ =	sdelay $0x3  }
0x37: {  	[smem:$0x3FB0] =	sst s10  }
0x38: {  	s10 =	sld [smem:$0x3FB1]  }
0x39: {  	_ = 	snop;
	(pc) =	sbr.ind lr, $3  }
0x3a: {  	_ = 	snop  }
0x3b: {  	_ = 	snop  }
0x3c: {  	p2 =	seq.s32 s10, $0x1;
	s10 =	sld [smem:$0x3FB0]  }
0x3d: {  	_ =	shalt  }
0x3e: {  	_ =	shalt  }
0x3f: {  	_ =	shalt  }
0x40: {  	_ =	shalt  }
0x41: {  	_ =	shalt  }
0x42: {  	_ =	shalt  }
0x43: {  	_ =	shalt  }
0x44: {  	_ =	shalt  }
0x45: {  	_ =	shalt  }
0x46: {  	_ =	shalt  }
0x47: {  	_ =	shalt  }
0x48: {  	_ =	shalt  }
0x49: {  	_ =	shalt  }
0x4a: {  	_ =	shalt  }
0x4b: {  	_ =	shalt  }
0x4c: {  	_ =	shalt  }
0x4d: {  	_ =	shalt  }
0x4e: {  	_ =	shalt  }
0x4f: {  	_ =	shalt  }
0x50: {  	_ =	shalt  }
0x51: {  	_ =	shalt  }
0x52: {  	_ =	shalt  }
0x53: {  	_ =	shalt  }
0x54: {  	_ =	shalt  }
0x55: {  	_ =	shalt  }
0x56: {  	_ =	shalt  }
0x57: {  	_ =	shalt  }
0x58: {  	_ =	shalt  }
0x59: {  	_ =	shalt  }
0x5a: {  	_ =	shalt  }
0x5b: {  	_ =	shalt  }
0x5c: {  	_ =	shalt  }
0x5d: {  	_ =	shalt  }
0x5e: {  	_ =	shalt  }
0x5f: {  	_ =	shalt  }
0x60: {  	_ =	shalt  }
0x61: {  	_ =	shalt  }
0x62: {  	_ =	shalt  }
0x63: {  	_ =	shalt  }
0x64: {  	_ =	shalt  }
0x65: {  	_ =	shalt  }
0x66: {  	_ =	shalt  }
0x67: {  	_ =	shalt  }
0x68: {  	_ =	shalt  }
0x69: {  	_ =	shalt  }
0x6a: {  	_ =	shalt  }
0x6b: {  	_ =	shalt  }
0x6c: {  	_ =	shalt  }
0x6d: {  	_ =	shalt  }
0x6e: {  	_ =	shalt  }
0x6f: {  	_ =	shalt  }
0x70: {  	_ =	shalt  }
0x71: {  	_ =	shalt  }
0x72: {  	_ =	shalt  }
0x73: {  	_ =	shalt  }
0x74: {  	_ =	shalt  }
0x75: {  	_ =	shalt  }
0x76: {  	_ =	shalt  }
0x77: {  	_ =	shalt  }
0x78: {  	_ =	shalt  }
0x79: {  	_ =	shalt  }
0x7a: {  	_ =	shalt  }
0x7b: {  	_ =	shalt  }
0x7c: {  	_ =	shalt  }
0x7d: {  	_ =	shalt  }
0x7e: {  	_ =	shalt  }
0x7f: {  	_ =	shalt  }
0x80: {  	_ =	shalt  }
0x81: {  	_ =	shalt  }
0x82: {  	_ =	shalt  }
0x83: {  	_ =	shalt  }
0x84: {  	_ =	shalt  }
0x85: {  	_ =	shalt  }
0x86: {  	_ =	shalt  }
0x87: {  	_ =	shalt  }
.Lfunc_end0:
.L_simem_size_0:
called_computation.1_lowered:
.L_overlay_start_0:
0x88: {  	s2 =	sld [smem:$0x3FD9]  }
0x89: {  	s3 =	sld [smem:$0x3FFE];
	_ =	sdelay $0x1  }
0x8a: {  	s1 =	srdreg.scid  }
0x8b: {  	s0 =	sand.u32 $0x1, s1  }
0x8c: {  	s14 =	sshll.u32 s0, $0xA;
	s2 =	sadd.s32 s3, s2  }
0x8d: {  	s2 =	sadd.s32 s2, s14  }
0x8e: {  	[smem:$0x3FBC] =	sst s2  }
0x8f: {  	_ = 	snop  }
0x90: {  	s2 =	sld [smem:$0x3FD0];
	_ =	sdelay $0x2  }
0x91: {  	s15 =	simm.s32 $0xA;
	s4 =	simm.s32 $0x10  }
0x92: {  	[smem:s4], [sflag:s15] =	dma.local [hbm:s2], $0x1  }
0x93: {  	_ =	swait.eq [sflag:s15], $0x1  }
0x94: {  	[sflag:s15] =	ssyncset.done $0x0  }
0x95: {  	s16 =	sld [smem:$0x10];
	[sflag:s15] =	ssyncadd.s32 $0xFFFFFFFF  }
0x96: {  	s17 =	sld [smem:$0x11];
	(tm) =	ssettm $0x1  }
0x97: {  	s18 =	sld [smem:$0x3FFB];
	_ =	sdelay $0x3  }
0x98: {  	_ =	strace s18  }
0x99: {  	s4 =	sld [smem:$0x3FFC];
	_ =	sdelay $0x3  }
0x9a: {  	_ =	strace s4  }
0x9b: {  	s4 =	sld [smem:$0x3FFD];
	_ =	sdelay $0x3  }
0x9c: {  	_ =	strace s4  }
0x9d: {  	_ =	strace $0x8FFFFFFF  }
0x9e: {  	s19 =	sld [smem:$0x3FDB];
	_ =	sdelay $0x1  }
0x9f: {  	s5 =	simm.s32 $_scs_section_size  }
0xa0: {  	s6 =	simm.s32 $_size__tile_overlayer_lowered;
	s7 =	simm.s32 $_tile_overlayer_lowered  }
0xa1: {  	s22 =	simm.s32 $0x1BFF;
	s21 =	sshll.u32 s7, $0x1;
	s4 =	sadd.s32 s5, s19  }
0xa2: {  	s8 =	simm.s32 $0x0;
	s20 =	sshll.u32 s6, $0x1;
	s6 =	sadd.s32 s21, s4  }
0xa3: {  	[timem:s8], [sflag:s22] =	dma.local [hbm:s6], s20  }
0xa4: {  	_ =	swait.ge [sflag:s22], s20  }
0xa5: {  	s5 =	ssub.s32 $0x0, s20;
	[sflag:s22] =	ssyncset.done $0x0  }
0xa6: {  	[sflag:s22] =	ssyncadd.s32 s5;
	_ =	sdelay $0x1  }
0xa7: {  	s23 =	simm.s32 $0x1B8B  }
0xa8: {  	_ =	swait.ge [sflag:s23], $0x1  }
0xa9: {  	[sflag:s23] =	ssyncset.done $0x0  }
0xaa: {  	s25 =	simm.s32 $0x1B8E;
	s24 =	sld [smem:$0x3FFE];
	[sflag:s23] =	ssyncadd.s32 $0xFFFFFFFF  }
0xab: {  	s26 =	simm.s32 $execute0_lowered;
	[smem:$0x3FD2] =	sst s25  }
0xac: {  	s6 =	sshll.u32 s26, $0x1;
	_ =	strace $0x80000049;
	[dreg:$0x1] =	wrdreg $0xFFFFFFFF  }
0xad: {  	s28 =	simm.s32 $_size_execute0_lowered;
	s4 =	sadd.s32 s4, s6;
	[dreg:$0x0] =	wrdreg $0x0  }
0xae: {  	s6 =	sshll.u32 s28, $0x1;
	[dreg:$0x2] =	wrdreg s4  }
0xaf: {  	[dreg:$0x3] =	wrdreg s6  }
0xb0: {  	[dreg:$0x4] =	wrdreg $0xC0  }
0xb1: {  	_ =	task [dreg:s8], $0x5FFFF  }
0xb2: {  	[dreg:$0x1] =	wrdreg $0xFFFFFFFF  }
0xb3: {  	[dreg:$0x0] =	wrdreg $0x60  }
0xb4: {  	[dreg:$0x2] =	wrdreg s24  }
0xb5: {  	[dreg:$0x3] =	wrdreg s17  }
0xb6: {  	[dreg:$0x4] =	wrdreg s16  }
0xb7: {  	[dreg:$0x5] =	wrdreg $0xB8000  }
0xb8: {  	[dreg:$0x6] =	wrdreg $0x9  }
0xb9: {  	_ =	task.clear_ibuf [dreg:s8], $0x7FFFF;
	_ =	strace $0x90000049  }
0xba: {  	s29 =	simm.s32 $0x9;
	_ =	strace $0x8000004B  }
0xbb: {  	_ =	swait.ge [sflag:s29], $0x1  }
0xbc: {  	[sflag:s29] =	ssyncadd.s32 $0xFFFFFFFF  }
0xbd: {  	_ =	strace $0x9000004B  }
0xbe: {  	_ =	sfence  }
0xbf: {  	s30 =	sld [smem:$0x0];
	_ =	sdelay $0x2  }
0xc0: {  	s31 =	sshll.u32 s1, $0xD;
	s1 =	sshrl.u32 s1, $0x2  }
0xc1: {  	s3 =	sand.u32 $0x4000, s31;
	s1 =	sadd.s32 s1, s30  }
0xc2: {  	s0 =	sor.u32 s3, s0;
	s1 =	sshll.u32 s1, $0x11  }
0xc3: {  	s0 =	sor.u32 s1, s0  }
0xc4: {  	s0 =	sadd.s32 $0x8F2B, s0  }
0xc5: {  	[sflag:s0] =	ssyncadd.remote.s32 $0x1  }
0xc6: {  	_ =	sfence.sel $0xFFFF  }
0xc7: {  	[dreg:$0x0] =	wrdreg $0xFFFFFFFF;
	(pc) =	sbr.abs _section_cstart, $3  }
0xc8: {  	[dreg:$0x1] =	wrdreg $0xFFFFFFFF  }
0xc9: {  	_ =	task.clear_ibuf [dreg:s8], $0x2FFFF;
	_ =	strace $0x9FFFFFFF  }
0xca: {  	(tm) =	ssettm $0x7FFFFFFF  }
0xcb: {  	_ =	shalt  }
tec
execute0_lowered:
.L_overlay_start_1:
0x0: {  	(tag) =	ssettag $0x1  }
0x1: {  	s6 =	rddreg [dreg:$0x0]  }
0x2: {  	s7 =	rddreg [dreg:$0x1]  }
0x3: {  	s0 =	srdreg.scid;
	s8 =	rddreg [dreg:$0x2]  }
0x4: {  	s2 =	rddreg [dreg:$0x3];
	s3 =	simm.s32 $0x0;
	s15 =	simm.s32 $0x5000  }
0x5: {  	s16 =	simm.s32 $0x80;
	s17 =	simm.s32 $0x7800;
	s18 =	simm.s32 $0x1  }
0x6: {  	s19 =	simm.s32 $0x0;
	s5 =	sand.u32 $0x1, s0;
	s0 =	stileid.u32  }
0x7: {  	[smem:$0x7FF] =	sst s3;
	s4 =	sadd.s32 $0xC600, s6;
	s10 =	smul.u32 $0x13C000, s5  }
0x8: {  	s1 =	sshll.u32 s5, $0x4;
	s11 =	smul.u32 $0x13C00, s0;
	s28 =	ssub.s32 $0x2, s5  }
0x9: {  	s13 =	smul.u32 $0x4F000, s0;
	s5 =	sadd.s32 $0x42B200, s6;
	s1 =	sor.u32 s0, s1  }
0xa: {  	s31 =	sshll.u32 s0, $0x6;
	s29 =	sshrl.u32 s28, $0x1;
	s9 =	smul.u32 $0x500, s1  }
0xb: {  	s1 =	rddreg [dreg:$0x4];
	_ =	strace $0x8000004A;
	s10 =	sadd.s32 s11, s10  }
0xc: {  	s11 =	ssub.s32 s28, s29;
	s30 =	sshrl.u32 s13, $0x2;
	s13 =	simm.s32 $0x2  }
0xd: {  	s10 =	sshrl.u32 s10, $0x3;
	s14 =	sadd.s32 s30, s2;
	s11 =	smax.u32 s11, $0x1  }
0xe: {  	s12 =	sadd.s32 s9, s6;
	s10 =	sadd.s32 s10, s6;
	s6 =	sor.u32 $0x1C02, s31  }
0xf: {  	s7 =	sadd.s32 s7, s9;
	s8 =	sadd.s32 s8, s9;
	s9 =	sadd.s32 $0x2600, s12  }
0x10: {  	s10 =	sadd.s32 $0x42DA00, s10;
	s12 =	sshrl.u32 s14, $0x3;
	s14 =	simm.s32 $0x2800  }
.LBB2_1:
0x11: {  	[spmem:s12], [sflag:s6] =	dma.local [hbm:s5], $0x2780  }
0x12: {  	_ =	swait.ge [sflag:s13], $0x2780  }
0x13: {  	[sflag:s13] =	ssyncset.done $0x0  }
0x14: {  	[sflag:s13] =	ssyncadd.s32 $0xFFFFD880  }
0x15: {  	[tilespmem:s3], [sflag:$0x2] =	stream.linear.gather [hbm4b:s7+s3], $0x2780, $0x38;
	[tilespmem:$0x1F400] =	vst v63  }
0x16: {  	_ =	swait.ge [sflag:s13], $0x2780  }
0x17: {  	[sflag:s13] =	ssyncset.done $0x0  }
0x18: {  	[sflag:s13] =	ssyncadd.s32 $0xFFFFD880  }
0x19: {  	[tilespmem:s14], [sflag:$0x2] =	stream.linear.gather [hbm4b:s8+s3], $0x2780, $0x38;
	[tilespmem:$0x1F400] =	vst v63  }
0x1a: {  	_ =	swait.ge [sflag:s13], $0x2780  }
0x1b: {  	[sflag:s13] =	ssyncset.done $0x0  }
0x1c: {  	[sflag:s13] =	ssyncadd.s32 $0xFFFFD880  }
0x1d: {  	[tilespmem:s15], [sflag:$0x2] =	stream.linear.gather [hbm4b:s9+s3], $0x2780, $0x38;
	[tilespmem:$0x1F400] =	vst v63  }
0x1e: {  	_ =	swait.ge [sflag:s13], $0x2780  }
0x1f: {  	[sflag:s13] =	ssyncset.done $0x0  }
0x20: {  	s20 =	simm.s32 $0x0;
	[sflag:s13] =	ssyncadd.s32 $0xFFFFD880  }
0x21: {  	v1 =	vld [tilespmem:s20+$0x2800];
	_ =	sdelay $0x1  }
0x22: {  	v0 =	vld [tilespmem:s20+$0x0];
	_ =	sdelay $0x2  }
0x23: {  	v1 =	vmul.u32 $0x2710, v1  }
0x24: {  	s21 =	simm.s32 $0x10;
	s22 =	simm.s32 $0x80  }
.LBB2_2:
0x25: {  	p0 =	sne.s32 s22, $0x9DC0;
	v2 =	vld [tilespmem:s21+$0x2800];
	v0 =	vadd.s32 v0, v1  }
0x26: {  	[tilespmem:s20+$0x0] =	vst v0;
	s20 =	smov.u32 s21  }
.Ltmp0:
0x27: {  	v0 =	vld [tilespmem:s20+$0x0];
	(pc) =	sbr.rel @p0 .LBB2_2-.Ltmp0, $3  }
0x28: {  	_ =	sdelay $0x1  }
0x29: {  	v1 =	vmul.u32 $0x2710, v2  }
0x2a: {  	s21 =	sshra.s32 s22, $0x2;
	s22 =	sadd.s32 $0x40, s22  }
0x2b: {  	v2 =	vld [tilespmem:s21+$0x2800];
	v0 =	vadd.s32 v0, v1  }
0x2c: {  	[tilespmem:s20+$0x0] =	vst v0  }
0x2d: {  	v0 =	vld [tilespmem:s21+$0x0];
	_ =	sdelay $0x2  }
0x2e: {  	v63 =	vmul.u32 $0x2710, v2;
	_ =	sdelay $0x1  }
0x2f: {  	v0 =	vadd.s32 v0, v63  }
0x30: {  	[tilespmem:s21+$0x0] =	vst v0  }
0x31: {  	s30 =	simm.s32 $0x0;
	[bflag:$0x0] =	sbarrier.arrive $0xFFFF  }
0x32: {  	[tilespmem:s17], [sflag:$0x1] =	stream.indirect.gather [hbm4b:s4+s16], $0x80, s30, s16, $0xb8;
	[tilespmem:$0x1F400] =	vst v63  }
0x33: {  	_ =	swait.ge [sflag:s18], $0x4000  }
0x34: {  	[sflag:s18] =	ssyncset.done $0x0  }
0x35: {  	s31 =	simm.s32 $0x5000;
	[sflag:s18] =	ssyncadd.s32 $0xFFFFC000  }
0x36: {  	[spmem:s2] =	stream.indirect.scatter.add.f32 [tilespmem:s17], [sflag:$0x2], $0x80, s31, s16, $0xb8;
	[tilespmem:$0x1F400] =	vst v63  }
0x37: {  	_ =	swait.ge [sflag:s13], $0x4000  }
0x38: {  	s20 =	simm.s32 $0x200;
	s21 =	simm.s32 $0x400;
	[sflag:s13] =	ssyncset.done $0x0  }
.LBB2_4:
0x39: {  	s22 =	sshra.s32 s20, $0x2  }
0x3a: {  	[sflag:s13] =	ssyncadd.s32 $0xFFFFC000;
	s20 =	smov.u32 s21;
	s23 =	sadd.s32 $0x200, s21  }
0x3b: {  	[tilespmem:s17], [sflag:$0x1] =	stream.indirect.gather [hbm4b:s4+s16], $0x80, s22, s16, $0xb8;
	[tilespmem:$0x1F400] =	vst v63  }
0x3c: {  	p0 =	sne.s32 s21, $0x9C00;
	_ =	swait.ge [sflag:s18], $0x4000  }
.Ltmp1:
0x3d: {  	[sflag:s18] =	ssyncset.done $0x0;
	(pc) =	sbr.rel @p0 .LBB2_4-.Ltmp1, $4  }
0x3e: {  	s21 =	sadd.s32 $0x5000, s22;
	[sflag:s18] =	ssyncadd.s32 $0xFFFFC000  }
0x3f: {  	[spmem:s2] =	stream.indirect.scatter.add.f32 [tilespmem:s17], [sflag:$0x2], $0x80, s21, s16, $0xb8;
	[tilespmem:$0x1F400] =	vst v63  }
0x40: {  	_ =	swait.ge [sflag:s13], $0x4000  }
0x41: {  	s21 =	smov.u32 s23;
	[sflag:s13] =	ssyncset.done $0x0  }
0x42: {  	s20 =	sshra.s32 s20, $0x2;
	[sflag:s13] =	ssyncadd.s32 $0xFFFFC000  }
0x43: {  	[tilespmem:s17], [sflag:$0x1] =	stream.indirect.gather [hbm4b:s4+s16], $0x80, s20, s16, $0xb8;
	[tilespmem:$0x1F400] =	vst v63  }
0x44: {  	_ =	swait.ge [sflag:s18], $0x4000  }
0x45: {  	[sflag:s18] =	ssyncset.done $0x0  }
0x46: {  	s20 =	sadd.s32 $0x5000, s20;
	[sflag:s18] =	ssyncadd.s32 $0xFFFFC000  }
0x47: {  	[spmem:s2] =	stream.indirect.scatter.add.f32 [tilespmem:s17], [sflag:$0x2], $0x80, s20, s16, $0xb8;
	[tilespmem:$0x1F400] =	vst v63  }
0x48: {  	_ =	swait.ge [sflag:s13], $0x4000  }
0x49: {  	s19 =	sadd.s32 $0x1, s19;
	[sflag:s13] =	ssyncset.done $0x0  }
0x4a: {  	p0 =	sne.s32 s19, s11;
	[sflag:s13] =	ssyncadd.s32 $0xFFFFC000  }
.Ltmp2:
0x4b: {  	[bflag:$0x0] =	sbarrier.arrive $0xFFFF;
	(pc) =	sbr.rel @p0 .LBB2_1-.Ltmp2, $4  }
0x4c: {  	[hbm:s10], [sflag:s6] =	dma.local [spmem:s12], $0x2780  }
0x4d: {  	_ =	swait.ge [sflag:s13], $0x2780  }
0x4e: {  	[sflag:s13] =	ssyncset.done $0x0  }
0x4f: {  	[sflag:s13] =	ssyncadd.s32 $0xFFFFD880  }
0x50: {  	_ =	sfence.sel $0x180000  }
0x51: {  	[bflag:$0x0] =	sbarrier.arrive $0xFFFF  }
0x52: {  	p0 =	sne.s32 s0, $0x0;
	_ =	strace $0x9000004A  }
0x53: {  	s0 =	sadd.s32 @!p0 $0x100000, s1;
	[bflag:$0x2] =	sbarrier.arrive $0xFFFF  }
0x54: {  	[sflag:s0] =	ssyncadd.tile.s32 @!p0 $0x1;
	_ =	shalt  }
.Lfunc_end2:
_tile_overlayer_lowered:
.L_overlay_start_2:
0x55: {  	(tag) =	ssettag $0x2  }
0x56: {  	s0 =	rddreg [dreg:$0x0];
	s2 =	stileid.u32  }
0x57: {  	s1 =	rddreg [dreg:$0x1];
	p0 =	sne.s32 s2, $0x0  }
0x58: {  	s3 =	rddreg [dreg:$0x2];
	[bflag:$0x3] =	sbarrier.arrive $0xFFFF;
	s2 =	simm.s32 @!p0 $0x1C02  }
0x59: {  	[timem:s3], [sflag:s2] =	dma.local @!p0 [hbm:s0], s1  }
0x5a: {  	s0 =	simm.s32 @!p0 $0x2  }
0x5b: {  	_ =	swait.ge @!p0 [sflag:s0], s1  }
0x5c: {  	s1 =	ssub.s32 @!p0 $0x0, s1;
	[sflag:s0] =	ssyncset.done @!p0 $0x0  }
0x5d: {  	[sflag:s0] =	ssyncadd.s32 @!p0 s1  }
0x5e: {  	[bflag:$0x3] =	sbarrier.arrive $0xFFFF  }
0x5f: {  	_ =	shalt  }

// kernel: kernel.8.cloned.1.call-start
scs
__scs_entry_jumppad:
0x0: {  	(pc) =	sbr.rel $0x88, $3  }
0x1: {  	(tag) =	ssettag $0x0;
	lr =	simm.s32 $0x1  }
0x2: {  	[smem:$0x3F95] =	sst lr;
	_ =	strace $0xD0000000  }
0x3: {  	_ = 	snop  }
0x4: {  	_ = 	snop  }
0x5: {  	_ = 	snop  }
0x6: {  	_ = 	snop  }
0x7: {  	_ = 	snop  }
__scs_overlays_trampoline_lowered:
0x8: {  	[smem:$0x3FA4] =	sst s0  }
0x9: {  	[smem:$0x3FA5] =	sst s1  }
0xa: {  	[smem:$0x3FA6] =	sst s2  }
0xb: {  	[smem:$0x3FA7] =	sst s3  }
0xc: {  	[smem:$0x3FA8] =	sst s4  }
0xd: {  	[smem:$0x3FA9] =	sst s5  }
0xe: {  	[smem:$0x3FAA] =	sst s6  }
0xf: {  	[smem:$0x3FAB] =	sst s7  }
0x10: {  	[smem:$0x3FAC] =	sst s8  }
0x11: {  	[smem:$0x3FAD] =	sst s9;
	s0 =	simm.s32 @!p0 $0x0  }
0x12: {  	s1 =	sld [smem:$0x3F93];
	s0 =	simm.s32 @p0 $0x1  }
0x13: {  	[smem:$0x3FAE] =	sst s0;
	s0 =	simm.s32 @!p1 $0x0  }
0x14: {  	s2 =	sld [smem:$0x3F92];
	s0 =	simm.s32 @p1 $0x1  }
0x15: {  	[smem:$0x3FAF] =	sst s0;
	s0 =	simm.s32 @!p2 $0x0  }
0x16: {  	s3 =	sld [smem:$0x3FDB];
	s0 =	simm.s32 @p2 $0x1  }
0x17: {  	s4 =	simm.s32 $0x1BF5;
	[smem:$0x3FB1] =	sst s0  }
0x18: {  	s0 =	sld [smem:$0x3F94];
	_ =	swait.ge [sflag:s4], $0x0  }
0x19: {  	s7 =	sld [smem:$0x3F95]  }
0x1a: {  	s8 =	sadd.s32 $0xFFFFE003, lr  }
0x1b: {  	s9 =	sadd.s32 $0xFFFFFEF7, lr;
	s5 =	simm.s32 $0xFFFFFFFF;
	p2 =	slt.u32 s8, $0xFFFFF086  }
0x1c: {  	p1 =	slt.u32 s9, $0xF7A;
	s5 =	simm.s32 @!p2 $0x0  }
0x1d: {  	s5 =	simm.s32 @p1 $0x1;
	p0 =	seq.s32 s7, s2  }
0x1e: {  	s7 =	smul.u32 @!p0 $0xF7A, s2;
	p2 =	seq.s32 @!p0 s5, $0x0  }
0x1f: {  	s9 =	smul.u32 $0xF7A, s1;
	s8 =	simm.s32 @!p0 $0x1BF5;
	p2 =	por !p2, p0  }
0x20: {  	[sflag:s8] =	ssyncset.s32 @!p0 $0xFFFFF086;
	s6 =	sadd.s32 @!p0 s3, s7;
	s7 =	simm.s32 @!p0 $0x108  }
0x21: {  	s3 =	sadd.s32 s3, s9;
	s6 =	sadd.s32 @!p0 $0x88, s6;
	s7 =	simm.s32 @p2 $0x1082  }
0x22: {  	[simem:s7], [sflag:s8] =	dma.local @!p0 [hbm:s6], $0xF7A  }
0x23: {  	s9 =	sor.u32 $0xD0000000, s2;
	s6 =	simm.s32 $0x108;
	_ =	swait.ge @!p0 [sflag:s8], $0x0  }
0x24: {  	s3 =	sadd.s32 $0x88, s3;
	s6 =	simm.s32 @!p1 $0x1082;
	[sflag:s4] =	ssyncset.s32 $0xFFFFF086  }
0x25: {  	[simem:s6], [sflag:s4] =	dma.local [hbm:s3], $0xF7A  }
0x26: {  	[smem:$0x3F95] =	sst s1;
	(tag) =	ssettag s2;
	_ =	strace s9  }
0x27: {  	s1 =	sld [smem:$0x3FA5]  }
0x28: {  	s2 =	sld [smem:$0x3FA6]  }
0x29: {  	s4 =	sld [smem:$0x3FA8]  }
0x2a: {  	p0 =	seq.s32 s5, $0x0;
	s5 =	sld [smem:$0x3FA9]  }
0x2b: {  	s6 =	sld [smem:$0x3FAA]  }
0x2c: {  	s7 =	sld [smem:$0x3FAB]  }
0x2d: {  	s3 =	simm.s32 $0x108;
	s8 =	sld [smem:$0x3FAC]  }
0x2e: {  	s3 =	simm.s32 @!p0 $0x1082;
	s9 =	sld [smem:$0x3FAD]  }
0x2f: {  	lr =	sadd.s32 s0, s3;
	s0 =	sld [smem:$0x3FA4]  }
0x30: {  	s3 =	sld [smem:$0x3FA7]  }
0x31: {  	[smem:$0x3FB0] =	sst s10  }
0x32: {  	s10 =	sld [smem:$0x3FAE];
	_ =	sdelay $0x3  }
0x33: {  	p0 =	seq.s32 s10, $0x1;
	s10 =	sld [smem:$0x3FB0];
	_ =	sdelay $0x3  }
0x34: {  	[smem:$0x3FB0] =	sst s10  }
0x35: {  	s10 =	sld [smem:$0x3FAF];
	_ =	sdelay $0x3  }
0x36: {  	p1 =	seq.s32 s10, $0x1;
	s10 =	sld [smem:$0x3FB0];
	_ =	sdelay $0x3  }
0x37: {  	[smem:$0x3FB0] =	sst s10  }
0x38: {  	s10 =	sld [smem:$0x3FB1]  }
0x39: {  	_ = 	snop;
	(pc) =	sbr.ind lr, $3  }
0x3a: {  	_ = 	snop  }
0x3b: {  	_ = 	snop  }
0x3c: {  	p2 =	seq.s32 s10, $0x1;
	s10 =	sld [smem:$0x3FB0]  }
0x3d: {  	_ =	shalt  }
0x3e: {  	_ =	shalt  }
0x3f: {  	_ =	shalt  }
0x40: {  	_ =	shalt  }
0x41: {  	_ =	shalt  }
0x42: {  	_ =	shalt  }
0x43: {  	_ =	shalt  }
0x44: {  	_ =	shalt  }
0x45: {  	_ =	shalt  }
0x46: {  	_ =	shalt  }
0x47: {  	_ =	shalt  }
0x48: {  	_ =	shalt  }
0x49: {  	_ =	shalt  }
0x4a: {  	_ =	shalt  }
0x4b: {  	_ =	shalt  }
0x4c: {  	_ =	shalt  }
0x4d: {  	_ =	shalt  }
0x4e: {  	_ =	shalt  }
0x4f: {  	_ =	shalt  }
0x50: {  	_ =	shalt  }
0x51: {  	_ =	shalt  }
0x52: {  	_ =	shalt  }
0x53: {  	_ =	shalt  }
0x54: {  	_ =	shalt  }
0x55: {  	_ =	shalt  }
0x56: {  	_ =	shalt  }
0x57: {  	_ =	shalt  }
0x58: {  	_ =	shalt  }
0x59: {  	_ =	shalt  }
0x5a: {  	_ =	shalt  }
0x5b: {  	_ =	shalt  }
0x5c: {  	_ =	shalt  }
0x5d: {  	_ =	shalt  }
0x5e: {  	_ =	shalt  }
0x5f: {  	_ =	shalt  }
0x60: {  	_ =	shalt  }
0x61: {  	_ =	shalt  }
0x62: {  	_ =	shalt  }
0x63: {  	_ =	shalt  }
0x64: {  	_ =	shalt  }
0x65: {  	_ =	shalt  }
0x66: {  	_ =	shalt  }
0x67: {  	_ =	shalt  }
0x68: {  	_ =	shalt  }
0x69: {  	_ =	shalt  }
0x6a: {  	_ =	shalt  }
0x6b: {  	_ =	shalt  }
0x6c: {  	_ =	shalt  }
0x6d: {  	_ =	shalt  }
0x6e: {  	_ =	shalt  }
0x6f: {  	_ =	shalt  }
0x70: {  	_ =	shalt  }
0x71: {  	_ =	shalt  }
0x72: {  	_ =	shalt  }
0x73: {  	_ =	shalt  }
0x74: {  	_ =	shalt  }
0x75: {  	_ =	shalt  }
0x76: {  	_ =	shalt  }
0x77: {  	_ =	shalt  }
0x78: {  	_ =	shalt  }
0x79: {  	_ =	shalt  }
0x7a: {  	_ =	shalt  }
0x7b: {  	_ =	shalt  }
0x7c: {  	_ =	shalt  }
0x7d: {  	_ =	shalt  }
0x7e: {  	_ =	shalt  }
0x7f: {  	_ =	shalt  }
0x80: {  	_ =	shalt  }
0x81: {  	_ =	shalt  }
0x82: {  	_ =	shalt  }
0x83: {  	_ =	shalt  }
0x84: {  	_ =	shalt  }
0x85: {  	_ =	shalt  }
0x86: {  	_ =	shalt  }
0x87: {  	_ =	shalt  }
.Lfunc_end0:
.L_simem_size_0:
called_computation_lowered:
.L_overlay_start_0:
0x88: {  	s2 =	sld [smem:$0x3FD9]  }
0x89: {  	s3 =	sld [smem:$0x3FFE];
	_ =	sdelay $0x1  }
0x8a: {  	s1 =	srdreg.scid  }
0x8b: {  	s0 =	sand.u32 $0x1, s1  }
0x8c: {  	s14 =	sshll.u32 s0, $0xA;
	s2 =	sadd.s32 s3, s2  }
0x8d: {  	s2 =	sadd.s32 s2, s14  }
0x8e: {  	[smem:$0x3FBC] =	sst s2  }
0x8f: {  	_ = 	snop  }
0x90: {  	s2 =	sld [smem:$0x3FD0];
	_ =	sdelay $0x2  }
0x91: {  	s15 =	simm.s32 $0xA;
	s4 =	simm.s32 $0x10  }
0x92: {  	[smem:s4], [sflag:s15] =	dma.local [hbm:s2], $0x1  }
0x93: {  	_ =	swait.eq [sflag:s15], $0x1  }
0x94: {  	[sflag:s15] =	ssyncset.done $0x0  }
0x95: {  	s16 =	sld [smem:$0x10];
	[sflag:s15] =	ssyncadd.s32 $0xFFFFFFFF  }
0x96: {  	s17 =	sld [smem:$0x11];
	(tm) =	ssettm $0x1  }
0x97: {  	s18 =	sld [smem:$0x3FFB];
	_ =	sdelay $0x3  }
0x98: {  	_ =	strace s18  }
0x99: {  	s4 =	sld [smem:$0x3FFC];
	_ =	sdelay $0x3  }
0x9a: {  	_ =	strace s4  }
0x9b: {  	s4 =	sld [smem:$0x3FFD];
	_ =	sdelay $0x3  }
0x9c: {  	_ =	strace s4  }
0x9d: {  	_ =	strace $0x8FFFFFFF  }
0x9e: {  	s19 =	sld [smem:$0x3FDB];
	_ =	sdelay $0x1  }
0x9f: {  	s5 =	simm.s32 $_scs_section_size  }
0xa0: {  	s6 =	simm.s32 $_size__tile_overlayer_lowered;
	s7 =	simm.s32 $_tile_overlayer_lowered  }
0xa1: {  	s22 =	simm.s32 $0x1BFF;
	s21 =	sshll.u32 s7, $0x1;
	s4 =	sadd.s32 s5, s19  }
0xa2: {  	s8 =	simm.s32 $0x0;
	s20 =	sshll.u32 s6, $0x1;
	s6 =	sadd.s32 s21, s4  }
0xa3: {  	[timem:s8], [sflag:s22] =	dma.local [hbm:s6], s20  }
0xa4: {  	_ =	swait.ge [sflag:s22], s20  }
0xa5: {  	s5 =	ssub.s32 $0x0, s20;
	[sflag:s22] =	ssyncset.done $0x0  }
0xa6: {  	[sflag:s22] =	ssyncadd.s32 s5;
	_ =	sdelay $0x1  }
0xa7: {  	s23 =	simm.s32 $0x1B8B  }
0xa8: {  	_ =	swait.ge [sflag:s23], $0x1  }
0xa9: {  	[sflag:s23] =	ssyncset.done $0x0  }
0xaa: {  	s25 =	simm.s32 $0x1B8E;
	s24 =	sld [smem:$0x3FFE];
	[sflag:s23] =	ssyncadd.s32 $0xFFFFFFFF  }
0xab: {  	s26 =	simm.s32 $execute0_lowered;
	[smem:$0x3FD2] =	sst s25  }
0xac: {  	s6 =	sshll.u32 s26, $0x1;
	_ =	strace $0x80000046;
	[dreg:$0x1] =	wrdreg $0xFFFFFFFF  }
0xad: {  	s28 =	simm.s32 $_size_execute0_lowered;
	s4 =	sadd.s32 s4, s6;
	[dreg:$0x0] =	wrdreg $0x0  }
0xae: {  	s6 =	sshll.u32 s28, $0x1;
	[dreg:$0x2] =	wrdreg s4  }
0xaf: {  	[dreg:$0x3] =	wrdreg s6  }
0xb0: {  	[dreg:$0x4] =	wrdreg $0xC0  }
0xb1: {  	_ =	task [dreg:s8], $0x5FFFF  }
0xb2: {  	[dreg:$0x1] =	wrdreg $0xFFFFFFFF  }
0xb3: {  	[dreg:$0x0] =	wrdreg $0x60  }
0xb4: {  	[dreg:$0x2] =	wrdreg s24  }
0xb5: {  	[dreg:$0x3] =	wrdreg s17  }
0xb6: {  	[dreg:$0x4] =	wrdreg s16  }
0xb7: {  	[dreg:$0x5] =	wrdreg $0xB8000  }
0xb8: {  	[dreg:$0x6] =	wrdreg $0x9  }
0xb9: {  	_ =	task.clear_ibuf [dreg:s8], $0x7FFFF;
	_ =	strace $0x90000046  }
0xba: {  	s29 =	simm.s32 $0x9;
	_ =	strace $0x80000048  }
0xbb: {  	_ =	swait.ge [sflag:s29], $0x1  }
0xbc: {  	[sflag:s29] =	ssyncadd.s32 $0xFFFFFFFF  }
0xbd: {  	_ =	strace $0x90000048  }
0xbe: {  	_ =	sfence  }
0xbf: {  	s30 =	sld [smem:$0x0];
	_ =	sdelay $0x2  }
0xc0: {  	s31 =	sshll.u32 s1, $0xD;
	s1 =	sshrl.u32 s1, $0x2  }
0xc1: {  	s3 =	sand.u32 $0x4000, s31;
	s1 =	sadd.s32 s1, s30  }
0xc2: {  	s0 =	sor.u32 s3, s0;
	s1 =	sshll.u32 s1, $0x11  }
0xc3: {  	s0 =	sor.u32 s1, s0  }
0xc4: {  	s0 =	sadd.s32 $0x8F2B, s0  }
0xc5: {  	[sflag:s0] =	ssyncadd.remote.s32 $0x1  }
0xc6: {  	_ =	sfence.sel $0xFFFF  }
0xc7: {  	[dreg:$0x0] =	wrdreg $0xFFFFFFFF;
	(pc) =	sbr.abs _section_cstart, $3  }
0xc8: {  	[dreg:$0x1] =	wrdreg $0xFFFFFFFF  }
0xc9: {  	_ =	task.clear_ibuf [dreg:s8], $0x2FFFF;
	_ =	strace $0x9FFFFFFF  }
0xca: {  	(tm) =	ssettm $0x7FFFFFFF  }
0xcb: {  	_ =	shalt  }
tec
execute0_lowered:
.L_overlay_start_1:
0x0: {  	(tag) =	ssettag $0x1  }
0x1: {  	s6 =	rddreg [dreg:$0x0]  }
0x2: {  	s7 =	rddreg [dreg:$0x1]  }
0x3: {  	s0 =	srdreg.scid;
	s8 =	rddreg [dreg:$0x2]  }
0x4: {  	s2 =	rddreg [dreg:$0x3];
	s3 =	simm.s32 $0x0;
	s15 =	simm.s32 $0x5000  }
0x5: {  	s16 =	simm.s32 $0x80;
	s17 =	simm.s32 $0x7800;
	s18 =	simm.s32 $0x1  }
0x6: {  	s19 =	simm.s32 $0x0;
	s5 =	sand.u32 $0x1, s0;
	s0 =	stileid.u32  }
0x7: {  	[smem:$0x7FF] =	sst s3;
	s4 =	sadd.s32 $0xC600, s6;
	s10 =	smul.u32 $0x13C000, s5  }
0x8: {  	s1 =	sshll.u32 s5, $0x4;
	s11 =	smul.u32 $0x13C00, s0;
	s28 =	ssub.s32 $0x2, s5  }
0x9: {  	s13 =	smul.u32 $0x4F000, s0;
	s5 =	sadd.s32 $0x42B200, s6;
	s1 =	sor.u32 s0, s1  }
0xa: {  	s31 =	sshll.u32 s0, $0x6;
	s29 =	sshrl.u32 s28, $0x1;
	s9 =	smul.u32 $0x500, s1  }
0xb: {  	s1 =	rddreg [dreg:$0x4];
	_ =	strace $0x80000047;
	s10 =	sadd.s32 s11, s10  }
0xc: {  	s11 =	ssub.s32 s28, s29;
	s30 =	sshrl.u32 s13, $0x2;
	s13 =	simm.s32 $0x2  }
0xd: {  	s10 =	sshrl.u32 s10, $0x3;
	s14 =	sadd.s32 s30, s2;
	s11 =	smax.u32 s11, $0x1  }
0xe: {  	s12 =	sadd.s32 s9, s6;
	s10 =	sadd.s32 s10, s6;
	s6 =	sor.u32 $0x1C02, s31  }
0xf: {  	s7 =	sadd.s32 s7, s9;
	s8 =	sadd.s32 s8, s9;
	s9 =	sadd.s32 $0x2600, s12  }
0x10: {  	s10 =	sadd.s32 $0x42DA00, s10;
	s12 =	sshrl.u32 s14, $0x3;
	s14 =	simm.s32 $0x2800  }
.LBB2_1:
0x11: {  	[spmem:s12], [sflag:s6] =	dma.local [hbm:s5], $0x2780  }
0x12: {  	_ =	swait.ge [sflag:s13], $0x2780  }
0x13: {  	[sflag:s13] =	ssyncset.done $0x0  }
0x14: {  	[sflag:s13] =	ssyncadd.s32 $0xFFFFD880  }
0x15: {  	[tilespmem:s3], [sflag:$0x2] =	stream.linear.gather [hbm4b:s7+s3], $0x2780, $0x38;
	[tilespmem:$0x1F400] =	vst v63  }
0x16: {  	_ =	swait.ge [sflag:s13], $0x2780  }
0x17: {  	[sflag:s13] =	ssyncset.done $0x0  }
0x18: {  	[sflag:s13] =	ssyncadd.s32 $0xFFFFD880  }
0x19: {  	[tilespmem:s14], [sflag:$0x2] =	stream.linear.gather [hbm4b:s8+s3], $0x2780, $0x38;
	[tilespmem:$0x1F400] =	vst v63  }
0x1a: {  	_ =	swait.ge [sflag:s13], $0x2780  }
0x1b: {  	[sflag:s13] =	ssyncset.done $0x0  }
0x1c: {  	[sflag:s13] =	ssyncadd.s32 $0xFFFFD880  }
0x1d: {  	[tilespmem:s15], [sflag:$0x2] =	stream.linear.gather [hbm4b:s9+s3], $0x2780, $0x38;
	[tilespmem:$0x1F400] =	vst v63  }
0x1e: {  	_ =	swait.ge [sflag:s13], $0x2780  }
0x1f: {  	[sflag:s13] =	ssyncset.done $0x0  }
0x20: {  	s20 =	simm.s32 $0x0;
	[sflag:s13] =	ssyncadd.s32 $0xFFFFD880  }
0x21: {  	v1 =	vld [tilespmem:s20+$0x2800];
	_ =	sdelay $0x1  }
0x22: {  	v0 =	vld [tilespmem:s20+$0x0];
	_ =	sdelay $0x2  }
0x23: {  	v1 =	vmul.u32 $0x2710, v1  }
0x24: {  	s21 =	simm.s32 $0x10;
	s22 =	simm.s32 $0x80  }
.LBB2_2:
0x25: {  	p0 =	sne.s32 s22, $0x9DC0;
	v2 =	vld [tilespmem:s21+$0x2800];
	v0 =	vadd.s32 v0, v1  }
0x26: {  	[tilespmem:s20+$0x0] =	vst v0;
	s20 =	smov.u32 s21  }
.Ltmp0:
0x27: {  	v0 =	vld [tilespmem:s20+$0x0];
	(pc) =	sbr.rel @p0 .LBB2_2-.Ltmp0, $3  }
0x28: {  	_ =	sdelay $0x1  }
0x29: {  	v1 =	vmul.u32 $0x2710, v2  }
0x2a: {  	s21 =	sshra.s32 s22, $0x2;
	s22 =	sadd.s32 $0x40, s22  }
0x2b: {  	v2 =	vld [tilespmem:s21+$0x2800];
	v0 =	vadd.s32 v0, v1  }
0x2c: {  	[tilespmem:s20+$0x0] =	vst v0  }
0x2d: {  	v0 =	vld [tilespmem:s21+$0x0];
	_ =	sdelay $0x2  }
0x2e: {  	v63 =	vmul.u32 $0x2710, v2;
	_ =	sdelay $0x1  }
0x2f: {  	v0 =	vadd.s32 v0, v63  }
0x30: {  	[tilespmem:s21+$0x0] =	vst v0  }
0x31: {  	s30 =	simm.s32 $0x0;
	[bflag:$0x0] =	sbarrier.arrive $0xFFFF  }
0x32: {  	[tilespmem:s17], [sflag:$0x1] =	stream.indirect.gather [hbm4b:s4+s16], $0x80, s30, s16, $0xb8;
	[tilespmem:$0x1F400] =	vst v63  }
0x33: {  	_ =	swait.ge [sflag:s18], $0x4000  }
0x34: {  	[sflag:s18] =	ssyncset.done $0x0  }
0x35: {  	s31 =	simm.s32 $0x5000;
	[sflag:s18] =	ssyncadd.s32 $0xFFFFC000  }
0x36: {  	[spmem:s2] =	stream.indirect.scatter.add.f32 [tilespmem:s17], [sflag:$0x2], $0x80, s31, s16, $0xb8;
	[tilespmem:$0x1F400] =	vst v63  }
0x37: {  	_ =	swait.ge [sflag:s13], $0x4000  }
0x38: {  	s20 =	simm.s32 $0x200;
	s21 =	simm.s32 $0x400;
	[sflag:s13] =	ssyncset.done $0x0  }
.LBB2_4:
0x39: {  	s22 =	sshra.s32 s20, $0x2  }
0x3a: {  	[sflag:s13] =	ssyncadd.s32 $0xFFFFC000;
	s20 =	smov.u32 s21;
	s23 =	sadd.s32 $0x200, s21  }
0x3b: {  	[tilespmem:s17], [sflag:$0x1] =	stream.indirect.gather [hbm4b:s4+s16], $0x80, s22, s16, $0xb8;
	[tilespmem:$0x1F400] =	vst v63  }
0x3c: {  	p0 =	sne.s32 s21, $0x9C00;
	_ =	swait.ge [sflag:s18], $0x4000  }
.Ltmp1:
0x3d: {  	[sflag:s18] =	ssyncset.done $0x0;
	(pc) =	sbr.rel @p0 .LBB2_4-.Ltmp1, $4  }
0x3e: {  	s21 =	sadd.s32 $0x5000, s22;
	[sflag:s18] =	ssyncadd.s32 $0xFFFFC000  }
0x3f: {  	[spmem:s2] =	stream.indirect.scatter.add.f32 [tilespmem:s17], [sflag:$0x2], $0x80, s21, s16, $0xb8;
	[tilespmem:$0x1F400] =	vst v63  }
0x40: {  	_ =	swait.ge [sflag:s13], $0x4000  }
0x41: {  	s21 =	smov.u32 s23;
	[sflag:s13] =	ssyncset.done $0x0  }
0x42: {  	s20 =	sshra.s32 s20, $0x2;
	[sflag:s13] =	ssyncadd.s32 $0xFFFFC000  }
0x43: {  	[tilespmem:s17], [sflag:$0x1] =	stream.indirect.gather [hbm4b:s4+s16], $0x80, s20, s16, $0xb8;
	[tilespmem:$0x1F400] =	vst v63  }
0x44: {  	_ =	swait.ge [sflag:s18], $0x4000  }
0x45: {  	[sflag:s18] =	ssyncset.done $0x0  }
0x46: {  	s20 =	sadd.s32 $0x5000, s20;
	[sflag:s18] =	ssyncadd.s32 $0xFFFFC000  }
0x47: {  	[spmem:s2] =	stream.indirect.scatter.add.f32 [tilespmem:s17], [sflag:$0x2], $0x80, s20, s16, $0xb8;
	[tilespmem:$0x1F400] =	vst v63  }
0x48: {  	_ =	swait.ge [sflag:s13], $0x4000  }
0x49: {  	s19 =	sadd.s32 $0x1, s19;
	[sflag:s13] =	ssyncset.done $0x0  }
0x4a: {  	p0 =	sne.s32 s19, s11;
	[sflag:s13] =	ssyncadd.s32 $0xFFFFC000  }
.Ltmp2:
0x4b: {  	[bflag:$0x0] =	sbarrier.arrive $0xFFFF;
	(pc) =	sbr.rel @p0 .LBB2_1-.Ltmp2, $4  }
0x4c: {  	[hbm:s10], [sflag:s6] =	dma.local [spmem:s12], $0x2780  }
0x4d: {  	_ =	swait.ge [sflag:s13], $0x2780  }
0x4e: {  	[sflag:s13] =	ssyncset.done $0x0  }
0x4f: {  	[sflag:s13] =	ssyncadd.s32 $0xFFFFD880  }
0x50: {  	_ =	sfence.sel $0x180000  }
0x51: {  	[bflag:$0x0] =	sbarrier.arrive $0xFFFF  }
0x52: {  	p0 =	sne.s32 s0, $0x0;
	_ =	strace $0x90000047  }
0x53: {  	s0 =	sadd.s32 @!p0 $0x100000, s1;
	[bflag:$0x2] =	sbarrier.arrive $0xFFFF  }
0x54: {  	[sflag:s0] =	ssyncadd.tile.s32 @!p0 $0x1;
	_ =	shalt  }
.Lfunc_end2:
_tile_overlayer_lowered:
.L_overlay_start_2:
0x55: {  	(tag) =	ssettag $0x2  }
0x56: {  	s0 =	rddreg [dreg:$0x0];
	s2 =	stileid.u32  }
0x57: {  	s1 =	rddreg [dreg:$0x1];
	p0 =	sne.s32 s2, $0x0  }
0x58: {  	s3 =	rddreg [dreg:$0x2];
	[bflag:$0x3] =	sbarrier.arrive $0xFFFF;
	s2 =	simm.s32 @!p0 $0x1C02  }
0x59: {  	[timem:s3], [sflag:s2] =	dma.local @!p0 [hbm:s0], s1  }
0x5a: {  	s0 =	simm.s32 @!p0 $0x2  }
0x5b: {  	_ =	swait.ge @!p0 [sflag:s0], s1  }
0x5c: {  	s1 =	ssub.s32 @!p0 $0x0, s1;
	[sflag:s0] =	ssyncset.done @!p0 $0x0  }
0x5d: {  	[sflag:s0] =	ssyncadd.s32 @!p0 s1  }
0x5e: {  	[bflag:$0x3] =	sbarrier.arrive $0xFFFF  }
0x5f: {  	_ =	shalt  }

</sc_bundles>
